<compile_context>
chip_gen: v7x
topology: tpu7x:2x2x1
jax: 0.10.2.dev20260603
libtpu: 0.0.44.dev20260713+nightly
codegen_flags: <defaults>
</compile_context>

<pallas_src>
import functools

import jax
import jax.numpy as jnp
from jax import lax
from jax.experimental import pallas as pl
from jax.experimental.pallas import tpu as pltpu
from jax.experimental.pallas import tpu_sc as plsc

BATCH = 16384
LANES = 16
NUM_CORES = 2
NUM_SUBCORES = 16
NW = NUM_CORES * NUM_SUBCORES
B_PER_W = BATCH // NW
HALF = B_PER_W // 2


@functools.partial(
    pl.kernel,
    mesh=plsc.VectorSubcoreMesh(core_axis_name="c", subcore_axis_name="s"),
    out_type=jax.ShapeDtypeStruct((BATCH,), jnp.float32),
    scratch_types=[
        pltpu.VMEM((B_PER_W,), jnp.int32),
        pltpu.VMEM((B_PER_W,), jnp.float32),
        pltpu.SemaphoreType.DMA((2,)),
        pltpu.SemaphoreType.DMA((2,)),
        pltpu.SemaphoreType.DMA,
    ],
)
def _emb_sigmoid(w_hbm, idx_hbm, out_hbm, idx_v, val_v, sem_i, sem_g, sem_o):
    wid = lax.axis_index("s") * NUM_CORES + lax.axis_index("c")
    base = wid * B_PER_W
    idx_copies = [
        pltpu.async_copy(
            idx_hbm.at[pl.ds(base + h * HALF, HALF)],
            idx_v.at[pl.ds(h * HALF, HALF)],
            sem_i.at[h],
        )
        for h in range(2)
    ]
    gathers = []
    for h in range(2):
        idx_copies[h].wait()
        gathers.append(
            pltpu.async_copy(
                w_hbm.at[idx_v.at[pl.ds(h * HALF, HALF)]],
                val_v.at[pl.ds(h * HALF, HALF)],
                sem_g.at[h],
            )
        )
    stores = []
    for h in range(2):
        gathers[h].wait()
        for i in range(HALF // LANES):
            o = h * HALF + i * LANES
            x = val_v[pl.ds(o, LANES)]
            val_v[pl.ds(o, LANES)] = 1.0 / (1.0 + jnp.exp(-x))
        stores.append(
            pltpu.async_copy(
                val_v.at[pl.ds(h * HALF, HALF)],
                out_hbm.at[pl.ds(base + h * HALF, HALF)],
                sem_o,
            )
        )
    for c in stores:
        c.wait()


def kernel(idx, W):
    out = _emb_sigmoid(W.reshape(-1), idx.astype(jnp.int32))
    return out.reshape(BATCH, 1)

# --- scband reference (transcript-rebuilt; emitter-appended) ---
"""Pipeline reference for scband-emb-est-86921548136457 (READ-ONLY COPY).

The authoritative reference and input builder live on the scoring server;
editing this copy changes nothing except your own understanding.
"""

import jax, jax.numpy as jnp
import numpy as np

NUM_SAMPLES = 1000000
BATCH = 16384
GAIN = 1.0

def setup_inputs(seed: int = 0) -> dict:
    key = jax.random.key(seed)
    k_idx, k_w = jax.random.split(key)
    idx = jax.random.randint(k_idx, (BATCH,), 0, NUM_SAMPLES, dtype=jnp.int64 if jax.config.read('jax_enable_x64') else jnp.int32)
    # torch.nn.Embedding initializes weights ~ N(0,1); module scales by gain
    W = jax.random.normal(k_w, (NUM_SAMPLES, 1), dtype=jnp.float32) * GAIN
    return {"idx": idx, "W": W}

def reference(idx, W):
    # forward: sigmoid(embedding_lookup(idx))
    emb = jnp.take(W, idx, axis=0)  # [BATCH, 1]
    return jax.nn.sigmoid(emb)

if __name__ == "__main__":
    import jax
    _d = setup_inputs()
    print(jax.jit(kernel)(*tuple(_d.values())))

</pallas_src>

<mosaic_0001>
#map = affine_map<(d0, d1) -> (0)>
module attributes {stable_mosaic.version = 14 : i64} {
  func.func @_emb_sigmoid(%arg0: i32, %arg1: i32, %arg2: memref<1000000xf32, #tpu.memory_space<hbm>>, %arg3: memref<16384xi32, #tpu.memory_space<hbm>>, %arg4: memref<16384xf32, #tpu.memory_space<hbm>>, %arg5: memref<512xi32, #tpu.memory_space<vmem>>, %arg6: memref<512xf32, #tpu.memory_space<vmem>>, %arg7: memref<2x!tpu.dma_semaphore, #tpu.memory_space<semaphore_mem>>, %arg8: memref<2x!tpu.dma_semaphore, #tpu.memory_space<semaphore_mem>>, %arg9: memref<!tpu.dma_semaphore, #tpu.memory_space<semaphore_mem>>) attributes {dimension_semantics = [#tpu.dimension_semantics<core_parallel>, #tpu.dimension_semantics<subcore_parallel>], iteration_bounds = array<i64: 2, 16>, scalar_prefetch = 0 : i64, scratch_operands = 5 : i64, tpu.core_type = #tpu.core_type<sc_vector_subcore>, window_params = [{transform_indices = #map}, {transform_indices = #map}, {transform_indices = #map}]} {
    %mul3A = arith.constant 2 : i32
    %mul3A_0 = arith.muli %arg1, %mul3A : i32
    %add3A = arith.addi %mul3A_0, %arg0 : i32
    %mul3A_1 = arith.constant 512 : i32
    %mul3A_2 = arith.muli %add3A, %mul3A_1 : i32
    %add3A_3 = arith.constant 0 : i32
    %add3A_4 = arith.addi %mul3A_2, %add3A_3 : i32
    %dma_start3A = arith.constant 0 : i32
    %dma_start3A_5 = arith.constant 0 : i32
    %dma_start3A_6 = tpu.memref_slice %arg5[%dma_start3A_5] : memref<512xi32, #tpu.memory_space<vmem>> -> memref<256xi32, #tpu.memory_space<vmem>>
    %dma_start3A_7 = tpu.memref_slice %arg3[%add3A_4] : memref<16384xi32, #tpu.memory_space<hbm>> -> memref<256xi32, #tpu.memory_space<hbm>>
    %dma_start3A_8 = tpu.memref_slice %arg7[%dma_start3A] : memref<2x!tpu.dma_semaphore, #tpu.memory_space<semaphore_mem>> -> memref<1x!tpu.dma_semaphore, #tpu.memory_space<semaphore_mem>>
    %dma_start3A_9 = tpu.memref_squeeze %dma_start3A_8 : memref<1x!tpu.dma_semaphore, #tpu.memory_space<semaphore_mem>> -> memref<!tpu.dma_semaphore, #tpu.memory_space<semaphore_mem>>
    %dma_start3A_10 = arith.constant 0 : i32
    %dma_start3A_11 = tpu.memref_slice %arg5[%dma_start3A_10] : memref<512xi32, #tpu.memory_space<vmem>> -> memref<256xi32, #tpu.memory_space<vmem>>
    %dma_start3A_12 = tpu.memref_slice %arg3[%add3A_4] : memref<16384xi32, #tpu.memory_space<hbm>> -> memref<256xi32, #tpu.memory_space<hbm>>
    tpu.enqueue_dma source(%dma_start3A_12 : memref<256xi32, #tpu.memory_space<hbm>>) target(%dma_start3A_11 : memref<256xi32, #tpu.memory_space<vmem>>) target_semaphore(%dma_start3A_9 : memref<!tpu.dma_semaphore, #tpu.memory_space<semaphore_mem>>)
    %add3A_13 = arith.constant 256 : i32
    %add3A_14 = arith.addi %mul3A_2, %add3A_13 : i32
    %dma_start3A_15 = arith.constant 1 : i32
    %dma_start3A_16 = arith.constant 256 : i32
    %dma_start3A_17 = tpu.memref_slice %arg5[%dma_start3A_16] : memref<512xi32, #tpu.memory_space<vmem>> -> memref<256xi32, #tpu.memory_space<vmem>>
    %dma_start3A_18 = tpu.memref_slice %arg3[%add3A_14] : memref<16384xi32, #tpu.memory_space<hbm>> -> memref<256xi32, #tpu.memory_space<hbm>>
    %dma_start3A_19 = tpu.memref_slice %arg7[%dma_start3A_15] : memref<2x!tpu.dma_semaphore, #tpu.memory_space<semaphore_mem>> -> memref<1x!tpu.dma_semaphore, #tpu.memory_space<semaphore_mem>>
    %dma_start3A_20 = tpu.memref_squeeze %dma_start3A_19 : memref<1x!tpu.dma_semaphore, #tpu.memory_space<semaphore_mem>> -> memref<!tpu.dma_semaphore, #tpu.memory_space<semaphore_mem>>
    %dma_start3A_21 = arith.constant 256 : i32
    %dma_start3A_22 = tpu.memref_slice %arg5[%dma_start3A_21] : memref<512xi32, #tpu.memory_space<vmem>> -> memref<256xi32, #tpu.memory_space<vmem>>
    %dma_start3A_23 = tpu.memref_slice %arg3[%add3A_14] : memref<16384xi32, #tpu.memory_space<hbm>> -> memref<256xi32, #tpu.memory_space<hbm>>
    tpu.enqueue_dma source(%dma_start3A_23 : memref<256xi32, #tpu.memory_space<hbm>>) target(%dma_start3A_22 : memref<256xi32, #tpu.memory_space<vmem>>) target_semaphore(%dma_start3A_20 : memref<!tpu.dma_semaphore, #tpu.memory_space<semaphore_mem>>)
    %dma_wait3A = arith.constant 0 : i32
    %dma_wait3A_24 = arith.constant 0 : i32
    %dma_wait3A_25 = tpu.memref_slice %arg5[%dma_wait3A_24] : memref<512xi32, #tpu.memory_space<vmem>> -> memref<256xi32, #tpu.memory_space<vmem>>
    %dma_wait3A_26 = tpu.memref_slice %arg3[%add3A_4] : memref<16384xi32, #tpu.memory_space<hbm>> -> memref<256xi32, #tpu.memory_space<hbm>>
    %dma_wait3A_27 = tpu.memref_slice %arg7[%dma_wait3A] : memref<2x!tpu.dma_semaphore, #tpu.memory_space<semaphore_mem>> -> memref<1x!tpu.dma_semaphore, #tpu.memory_space<semaphore_mem>>
    %dma_wait3A_28 = tpu.memref_squeeze %dma_wait3A_27 : memref<1x!tpu.dma_semaphore, #tpu.memory_space<semaphore_mem>> -> memref<!tpu.dma_semaphore, #tpu.memory_space<semaphore_mem>>
    %dma_wait3A_29 = arith.constant 0 : i32
    %dma_wait3A_30 = tpu.memref_slice %arg5[%dma_wait3A_29] : memref<512xi32, #tpu.memory_space<vmem>> -> memref<256xi32, #tpu.memory_space<vmem>>
    %dma_wait3A_31 = tpu.memref_slice %arg3[%add3A_4] : memref<16384xi32, #tpu.memory_space<hbm>> -> memref<256xi32, #tpu.memory_space<hbm>>
    tpu.wait_dma2 semaphore(%dma_wait3A_28 : memref<!tpu.dma_semaphore, #tpu.memory_space<semaphore_mem>>) src(%dma_wait3A_31 : memref<256xi32, #tpu.memory_space<hbm>>) dst(%dma_wait3A_30 : memref<256xi32, #tpu.memory_space<vmem>>)
    %dma_start3A_32 = arith.constant 0 : i32
    %dma_start3A_33 = arith.constant 0 : i32
    %dma_start3A_34 = tpu.memref_slice %arg6[%dma_start3A_33] : memref<512xf32, #tpu.memory_space<vmem>> -> memref<256xf32, #tpu.memory_space<vmem>>
    %dma_start3A_35 = arith.constant 0 : i32
    %dma_start3A_36 = tpu.memref_slice %arg5[%dma_start3A_35] : memref<512xi32, #tpu.memory_space<vmem>> -> memref<256xi32, #tpu.memory_space<vmem>>
    %dma_start3A_37 = arith.constant 0 : i32
    %dma_start3A_38 = tpu.memref_slice %arg2[%dma_start3A_37] : memref<1000000xf32, #tpu.memory_space<hbm>> -> memref<1000000xf32, #tpu.memory_space<hbm>>
    %dma_start3A_39 = tpu.memref_slice %arg8[%dma_start3A_32] : memref<2x!tpu.dma_semaphore, #tpu.memory_space<semaphore_mem>> -> memref<1x!tpu.dma_semaphore, #tpu.memory_space<semaphore_mem>>
    %dma_start3A_40 = tpu.memref_squeeze %dma_start3A_39 : memref<1x!tpu.dma_semaphore, #tpu.memory_space<semaphore_mem>> -> memref<!tpu.dma_semaphore, #tpu.memory_space<semaphore_mem>>
    tpu.enqueue_indirect_dma source(%dma_start3A_38 : memref<1000000xf32, #tpu.memory_space<hbm>>) target(%dma_start3A_34 : memref<256xf32, #tpu.memory_space<vmem>>) offsets(%dma_start3A_36 : memref<256xi32, #tpu.memory_space<vmem>>) semaphore(%dma_start3A_40 : memref<!tpu.dma_semaphore, #tpu.memory_space<semaphore_mem>>)
    %dma_wait3A_41 = arith.constant 1 : i32
    %dma_wait3A_42 = arith.constant 256 : i32
    %dma_wait3A_43 = tpu.memref_slice %arg5[%dma_wait3A_42] : memref<512xi32, #tpu.memory_space<vmem>> -> memref<256xi32, #tpu.memory_space<vmem>>
    %dma_wait3A_44 = tpu.memref_slice %arg3[%add3A_14] : memref<16384xi32, #tpu.memory_space<hbm>> -> memref<256xi32, #tpu.memory_space<hbm>>
    %dma_wait3A_45 = tpu.memref_slice %arg7[%dma_wait3A_41] : memref<2x!tpu.dma_semaphore, #tpu.memory_space<semaphore_mem>> -> memref<1x!tpu.dma_semaphore, #tpu.memory_space<semaphore_mem>>
    %dma_wait3A_46 = tpu.memref_squeeze %dma_wait3A_45 : memref<1x!tpu.dma_semaphore, #tpu.memory_space<semaphore_mem>> -> memref<!tpu.dma_semaphore, #tpu.memory_space<semaphore_mem>>
    %dma_wait3A_47 = arith.constant 256 : i32
    %dma_wait3A_48 = tpu.memref_slice %arg5[%dma_wait3A_47] : memref<512xi32, #tpu.memory_space<vmem>> -> memref<256xi32, #tpu.memory_space<vmem>>
    %dma_wait3A_49 = tpu.memref_slice %arg3[%add3A_14] : memref<16384xi32, #tpu.memory_space<hbm>> -> memref<256xi32, #tpu.memory_space<hbm>>
    tpu.wait_dma2 semaphore(%dma_wait3A_46 : memref<!tpu.dma_semaphore, #tpu.memory_space<semaphore_mem>>) src(%dma_wait3A_49 : memref<256xi32, #tpu.memory_space<hbm>>) dst(%dma_wait3A_48 : memref<256xi32, #tpu.memory_space<vmem>>)
    %dma_start3A_50 = arith.constant 1 : i32
    %dma_start3A_51 = arith.constant 256 : i32
    %dma_start3A_52 = tpu.memref_slice %arg6[%dma_start3A_51] : memref<512xf32, #tpu.memory_space<vmem>> -> memref<256xf32, #tpu.memory_space<vmem>>
    %dma_start3A_53 = arith.constant 256 : i32
    %dma_start3A_54 = tpu.memref_slice %arg5[%dma_start3A_53] : memref<512xi32, #tpu.memory_space<vmem>> -> memref<256xi32, #tpu.memory_space<vmem>>
    %dma_start3A_55 = arith.constant 0 : i32
    %dma_start3A_56 = tpu.memref_slice %arg2[%dma_start3A_55] : memref<1000000xf32, #tpu.memory_space<hbm>> -> memref<1000000xf32, #tpu.memory_space<hbm>>
    %dma_start3A_57 = tpu.memref_slice %arg8[%dma_start3A_50] : memref<2x!tpu.dma_semaphore, #tpu.memory_space<semaphore_mem>> -> memref<1x!tpu.dma_semaphore, #tpu.memory_space<semaphore_mem>>
    %dma_start3A_58 = tpu.memref_squeeze %dma_start3A_57 : memref<1x!tpu.dma_semaphore, #tpu.memory_space<semaphore_mem>> -> memref<!tpu.dma_semaphore, #tpu.memory_space<semaphore_mem>>
    tpu.enqueue_indirect_dma source(%dma_start3A_56 : memref<1000000xf32, #tpu.memory_space<hbm>>) target(%dma_start3A_52 : memref<256xf32, #tpu.memory_space<vmem>>) offsets(%dma_start3A_54 : memref<256xi32, #tpu.memory_space<vmem>>) semaphore(%dma_start3A_58 : memref<!tpu.dma_semaphore, #tpu.memory_space<semaphore_mem>>)
    %dma_wait3A_59 = arith.constant 0 : i32
    %dma_wait3A_60 = arith.constant 0 : i32
    %dma_wait3A_61 = tpu.memref_slice %arg6[%dma_wait3A_60] : memref<512xf32, #tpu.memory_space<vmem>> -> memref<256xf32, #tpu.memory_space<vmem>>
    %dma_wait3A_62 = arith.constant 0 : i32
    %dma_wait3A_63 = tpu.memref_slice %arg5[%dma_wait3A_62] : memref<512xi32, #tpu.memory_space<vmem>> -> memref<256xi32, #tpu.memory_space<vmem>>
    %dma_wait3A_64 = arith.constant 0 : i32
    %dma_wait3A_65 = tpu.memref_slice %arg2[%dma_wait3A_64] : memref<1000000xf32, #tpu.memory_space<hbm>> -> memref<1000000xf32, #tpu.memory_space<hbm>>
    %dma_wait3A_66 = tpu.memref_slice %arg8[%dma_wait3A_59] : memref<2x!tpu.dma_semaphore, #tpu.memory_space<semaphore_mem>> -> memref<1x!tpu.dma_semaphore, #tpu.memory_space<semaphore_mem>>
    %dma_wait3A_67 = tpu.memref_squeeze %dma_wait3A_66 : memref<1x!tpu.dma_semaphore, #tpu.memory_space<semaphore_mem>> -> memref<!tpu.dma_semaphore, #tpu.memory_space<semaphore_mem>>
    tpu.wait_indirect_dma semaphore(%dma_wait3A_67 : memref<!tpu.dma_semaphore, #tpu.memory_space<semaphore_mem>>) src(%dma_wait3A_65 : memref<1000000xf32, #tpu.memory_space<hbm>>) dst(%dma_wait3A_61 : memref<256xf32, #tpu.memory_space<vmem>>)
    %get3A = arith.constant 0 : index
    %get3A_68 = tpu.vector_load %arg6[%get3A] {strides = array<i32>} : memref<512xf32, #tpu.memory_space<vmem>>, vector<16xf32>,
    %get3A_69 = vector.shape_cast %get3A_68 : vector<16xf32> to vector<16xf32>
    %neg3A = arith.constant 0.000000e+00 : f32
    %neg3A_70 = vector.broadcast %neg3A : f32 to vector<16xf32>
    %neg3A_71 = arith.subf %neg3A_70, %get3A_69 : vector<16xf32>
    %exp3A = math.exp %neg3A_71 : vector<16xf32>
    %add3A_72 = arith.constant 1.000000e+00 : f32
    %add3A_73 = vector.broadcast %add3A_72 : f32 to vector<16xf32>
    %add3A_74 = arith.addf %add3A_73, %exp3A : vector<16xf32>
    %div3A = arith.constant 1.000000e+00 : f32
    %div3A_75 = vector.broadcast %div3A : f32 to vector<16xf32>
    %div3A_76 = arith.divf %div3A_75, %add3A_74 : vector<16xf32>
    %swap3A = arith.constant 0 : index
    %swap3A_77 = tpu.vector_load %arg6[%swap3A] {strides = array<i32>} : memref<512xf32, #tpu.memory_space<vmem>>, vector<16xf32>,
    %swap3A_78 = vector.shape_cast %swap3A_77 : vector<16xf32> to vector<16xf32>
    %swap3A_79 = vector.shape_cast %div3A_76 : vector<16xf32> to vector<16xf32>
    tpu.vector_store %arg6[%swap3A], %swap3A_79 {strides = array<i32>} : memref<512xf32, #tpu.memory_space<vmem>>, vector<16xf32>,
    %get3A_80 = arith.constant 16 : index
    %get3A_81 = tpu.vector_load %arg6[%get3A_80] {strides = array<i32>} : memref<512xf32, #tpu.memory_space<vmem>>, vector<16xf32>,
    %get3A_82 = vector.shape_cast %get3A_81 : vector<16xf32> to vector<16xf32>
    %neg3A_83 = arith.constant 0.000000e+00 : f32
    %neg3A_84 = vector.broadcast %neg3A_83 : f32 to vector<16xf32>
    %neg3A_85 = arith.subf %neg3A_84, %get3A_82 : vector<16xf32>
    %exp3A_86 = math.exp %neg3A_85 : vector<16xf32>
    %add3A_87 = arith.constant 1.000000e+00 : f32
    %add3A_88 = vector.broadcast %add3A_87 : f32 to vector<16xf32>
    %add3A_89 = arith.addf %add3A_88, %exp3A_86 : vector<16xf32>
    %div3A_90 = arith.constant 1.000000e+00 : f32
    %div3A_91 = vector.broadcast %div3A_90 : f32 to vector<16xf32>
    %div3A_92 = arith.divf %div3A_91, %add3A_89 : vector<16xf32>
    %swap3A_93 = arith.constant 16 : index
    %swap3A_94 = tpu.vector_load %arg6[%swap3A_93] {strides = array<i32>} : memref<512xf32, #tpu.memory_space<vmem>>, vector<16xf32>,
    %swap3A_95 = vector.shape_cast %swap3A_94 : vector<16xf32> to vector<16xf32>
    %swap3A_96 = vector.shape_cast %div3A_92 : vector<16xf32> to vector<16xf32>
    tpu.vector_store %arg6[%swap3A_93], %swap3A_96 {strides = array<i32>} : memref<512xf32, #tpu.memory_space<vmem>>, vector<16xf32>,
    %get3A_97 = arith.constant 32 : index
    %get3A_98 = tpu.vector_load %arg6[%get3A_97] {strides = array<i32>} : memref<512xf32, #tpu.memory_space<vmem>>, vector<16xf32>,
    %get3A_99 = vector.shape_cast %get3A_98 : vector<16xf32> to vector<16xf32>
    %neg3A_100 = arith.constant 0.000000e+00 : f32
    %neg3A_101 = vector.broadcast %neg3A_100 : f32 to vector<16xf32>
    %neg3A_102 = arith.subf %neg3A_101, %get3A_99 : vector<16xf32>
    %exp3A_103 = math.exp %neg3A_102 : vector<16xf32>
    %add3A_104 = arith.constant 1.000000e+00 : f32
    %add3A_105 = vector.broadcast %add3A_104 : f32 to vector<16xf32>
    %add3A_106 = arith.addf %add3A_105, %exp3A_103 : vector<16xf32>
    %div3A_107 = arith.constant 1.000000e+00 : f32
    %div3A_108 = vector.broadcast %div3A_107 : f32 to vector<16xf32>
    %div3A_109 = arith.divf %div3A_108, %add3A_106 : vector<16xf32>
    %swap3A_110 = arith.constant 32 : index
    %swap3A_111 = tpu.vector_load %arg6[%swap3A_110] {strides = array<i32>} : memref<512xf32, #tpu.memory_space<vmem>>, vector<16xf32>,
    %swap3A_112 = vector.shape_cast %swap3A_111 : vector<16xf32> to vector<16xf32>
    %swap3A_113 = vector.shape_cast %div3A_109 : vector<16xf32> to vector<16xf32>
    tpu.vector_store %arg6[%swap3A_110], %swap3A_113 {strides = array<i32>} : memref<512xf32, #tpu.memory_space<vmem>>, vector<16xf32>,
    %get3A_114 = arith.constant 48 : index
    %get3A_115 = tpu.vector_load %arg6[%get3A_114] {strides = array<i32>} : memref<512xf32, #tpu.memory_space<vmem>>, vector<16xf32>,
    %get3A_116 = vector.shape_cast %get3A_115 : vector<16xf32> to vector<16xf32>
    %neg3A_117 = arith.constant 0.000000e+00 : f32
    %neg3A_118 = vector.broadcast %neg3A_117 : f32 to vector<16xf32>
    %neg3A_119 = arith.subf %neg3A_118, %get3A_116 : vector<16xf32>
    %exp3A_120 = math.exp %neg3A_119 : vector<16xf32>
    %add3A_121 = arith.constant 1.000000e+00 : f32
    %add3A_122 = vector.broadcast %add3A_121 : f32 to vector<16xf32>
    %add3A_123 = arith.addf %add3A_122, %exp3A_120 : vector<16xf32>
    %div3A_124 = arith.constant 1.000000e+00 : f32
    %div3A_125 = vector.broadcast %div3A_124 : f32 to vector<16xf32>
    %div3A_126 = arith.divf %div3A_125, %add3A_123 : vector<16xf32>
    %swap3A_127 = arith.constant 48 : index
    %swap3A_128 = tpu.vector_load %arg6[%swap3A_127] {strides = array<i32>} : memref<512xf32, #tpu.memory_space<vmem>>, vector<16xf32>,
    %swap3A_129 = vector.shape_cast %swap3A_128 : vector<16xf32> to vector<16xf32>
    %swap3A_130 = vector.shape_cast %div3A_126 : vector<16xf32> to vector<16xf32>
    tpu.vector_store %arg6[%swap3A_127], %swap3A_130 {strides = array<i32>} : memref<512xf32, #tpu.memory_space<vmem>>, vector<16xf32>,
    %get3A_131 = arith.constant 64 : index
    %get3A_132 = tpu.vector_load %arg6[%get3A_131] {strides = array<i32>} : memref<512xf32, #tpu.memory_space<vmem>>, vector<16xf32>,
    %get3A_133 = vector.shape_cast %get3A_132 : vector<16xf32> to vector<16xf32>
    %neg3A_134 = arith.constant 0.000000e+00 : f32
    %neg3A_135 = vector.broadcast %neg3A_134 : f32 to vector<16xf32>
    %neg3A_136 = arith.subf %neg3A_135, %get3A_133 : vector<16xf32>
    %exp3A_137 = math.exp %neg3A_136 : vector<16xf32>
    %add3A_138 = arith.constant 1.000000e+00 : f32
    %add3A_139 = vector.broadcast %add3A_138 : f32 to vector<16xf32>
    %add3A_140 = arith.addf %add3A_139, %exp3A_137 : vector<16xf32>
    %div3A_141 = arith.constant 1.000000e+00 : f32
    %div3A_142 = vector.broadcast %div3A_141 : f32 to vector<16xf32>
    %div3A_143 = arith.divf %div3A_142, %add3A_140 : vector<16xf32>
    %swap3A_144 = arith.constant 64 : index
    %swap3A_145 = tpu.vector_load %arg6[%swap3A_144] {strides = array<i32>} : memref<512xf32, #tpu.memory_space<vmem>>, vector<16xf32>,
    %swap3A_146 = vector.shape_cast %swap3A_145 : vector<16xf32> to vector<16xf32>
    %swap3A_147 = vector.shape_cast %div3A_143 : vector<16xf32> to vector<16xf32>
    tpu.vector_store %arg6[%swap3A_144], %swap3A_147 {strides = array<i32>} : memref<512xf32, #tpu.memory_space<vmem>>, vector<16xf32>,
    %get3A_148 = arith.constant 80 : index
    %get3A_149 = tpu.vector_load %arg6[%get3A_148] {strides = array<i32>} : memref<512xf32, #tpu.memory_space<vmem>>, vector<16xf32>,
    %get3A_150 = vector.shape_cast %get3A_149 : vector<16xf32> to vector<16xf32>
    %neg3A_151 = arith.constant 0.000000e+00 : f32
    %neg3A_152 = vector.broadcast %neg3A_151 : f32 to vector<16xf32>
    %neg3A_153 = arith.subf %neg3A_152, %get3A_150 : vector<16xf32>
    %exp3A_154 = math.exp %neg3A_153 : vector<16xf32>
    %add3A_155 = arith.constant 1.000000e+00 : f32
    %add3A_156 = vector.broadcast %add3A_155 : f32 to vector<16xf32>
    %add3A_157 = arith.addf %add3A_156, %exp3A_154 : vector<16xf32>
    %div3A_158 = arith.constant 1.000000e+00 : f32
    %div3A_159 = vector.broadcast %div3A_158 : f32 to vector<16xf32>
    %div3A_160 = arith.divf %div3A_159, %add3A_157 : vector<16xf32>
    %swap3A_161 = arith.constant 80 : index
    %swap3A_162 = tpu.vector_load %arg6[%swap3A_161] {strides = array<i32>} : memref<512xf32, #tpu.memory_space<vmem>>, vector<16xf32>,
    %swap3A_163 = vector.shape_cast %swap3A_162 : vector<16xf32> to vector<16xf32>
    %swap3A_164 = vector.shape_cast %div3A_160 : vector<16xf32> to vector<16xf32>
    tpu.vector_store %arg6[%swap3A_161], %swap3A_164 {strides = array<i32>} : memref<512xf32, #tpu.memory_space<vmem>>, vector<16xf32>,
    %get3A_165 = arith.constant 96 : index
    %get3A_166 = tpu.vector_load %arg6[%get3A_165] {strides = array<i32>} : memref<512xf32, #tpu.memory_space<vmem>>, vector<16xf32>,
    %get3A_167 = vector.shape_cast %get3A_166 : vector<16xf32> to vector<16xf32>
    %neg3A_168 = arith.constant 0.000000e+00 : f32
    %neg3A_169 = vector.broadcast %neg3A_168 : f32 to vector<16xf32>
    %neg3A_170 = arith.subf %neg3A_169, %get3A_167 : vector<16xf32>
    %exp3A_171 = math.exp %neg3A_170 : vector<16xf32>
    %add3A_172 = arith.constant 1.000000e+00 : f32
    %add3A_173 = vector.broadcast %add3A_172 : f32 to vector<16xf32>
    %add3A_174 = arith.addf %add3A_173, %exp3A_171 : vector<16xf32>
    %div3A_175 = arith.constant 1.000000e+00 : f32
    %div3A_176 = vector.broadcast %div3A_175 : f32 to vector<16xf32>
    %div3A_177 = arith.divf %div3A_176, %add3A_174 : vector<16xf32>
    %swap3A_178 = arith.constant 96 : index
    %swap3A_179 = tpu.vector_load %arg6[%swap3A_178] {strides = array<i32>} : memref<512xf32, #tpu.memory_space<vmem>>, vector<16xf32>,
    %swap3A_180 = vector.shape_cast %swap3A_179 : vector<16xf32> to vector<16xf32>
    %swap3A_181 = vector.shape_cast %div3A_177 : vector<16xf32> to vector<16xf32>
    tpu.vector_store %arg6[%swap3A_178], %swap3A_181 {strides = array<i32>} : memref<512xf32, #tpu.memory_space<vmem>>, vector<16xf32>,
    %get3A_182 = arith.constant 112 : index
    %get3A_183 = tpu.vector_load %arg6[%get3A_182] {strides = array<i32>} : memref<512xf32, #tpu.memory_space<vmem>>, vector<16xf32>,
    %get3A_184 = vector.shape_cast %get3A_183 : vector<16xf32> to vector<16xf32>
    %neg3A_185 = arith.constant 0.000000e+00 : f32
    %neg3A_186 = vector.broadcast %neg3A_185 : f32 to vector<16xf32>
    %neg3A_187 = arith.subf %neg3A_186, %get3A_184 : vector<16xf32>
    %exp3A_188 = math.exp %neg3A_187 : vector<16xf32>
    %add3A_189 = arith.constant 1.000000e+00 : f32
    %add3A_190 = vector.broadcast %add3A_189 : f32 to vector<16xf32>
    %add3A_191 = arith.addf %add3A_190, %exp3A_188 : vector<16xf32>
    %div3A_192 = arith.constant 1.000000e+00 : f32
    %div3A_193 = vector.broadcast %div3A_192 : f32 to vector<16xf32>
    %div3A_194 = arith.divf %div3A_193, %add3A_191 : vector<16xf32>
    %swap3A_195 = arith.constant 112 : index
    %swap3A_196 = tpu.vector_load %arg6[%swap3A_195] {strides = array<i32>} : memref<512xf32, #tpu.memory_space<vmem>>, vector<16xf32>,
    %swap3A_197 = vector.shape_cast %swap3A_196 : vector<16xf32> to vector<16xf32>
    %swap3A_198 = vector.shape_cast %div3A_194 : vector<16xf32> to vector<16xf32>
    tpu.vector_store %arg6[%swap3A_195], %swap3A_198 {strides = array<i32>} : memref<512xf32, #tpu.memory_space<vmem>>, vector<16xf32>,
    %get3A_199 = arith.constant 128 : index
    %get3A_200 = tpu.vector_load %arg6[%get3A_199] {strides = array<i32>} : memref<512xf32, #tpu.memory_space<vmem>>, vector<16xf32>,
    %get3A_201 = vector.shape_cast %get3A_200 : vector<16xf32> to vector<16xf32>
    %neg3A_202 = arith.constant 0.000000e+00 : f32
    %neg3A_203 = vector.broadcast %neg3A_202 : f32 to vector<16xf32>
    %neg3A_204 = arith.subf %neg3A_203, %get3A_201 : vector<16xf32>
    %exp3A_205 = math.exp %neg3A_204 : vector<16xf32>
    %add3A_206 = arith.constant 1.000000e+00 : f32
    %add3A_207 = vector.broadcast %add3A_206 : f32 to vector<16xf32>
    %add3A_208 = arith.addf %add3A_207, %exp3A_205 : vector<16xf32>
    %div3A_209 = arith.constant 1.000000e+00 : f32
    %div3A_210 = vector.broadcast %div3A_209 : f32 to vector<16xf32>
    %div3A_211 = arith.divf %div3A_210, %add3A_208 : vector<16xf32>
    %swap3A_212 = arith.constant 128 : index
    %swap3A_213 = tpu.vector_load %arg6[%swap3A_212] {strides = array<i32>} : memref<512xf32, #tpu.memory_space<vmem>>, vector<16xf32>,
    %swap3A_214 = vector.shape_cast %swap3A_213 : vector<16xf32> to vector<16xf32>
    %swap3A_215 = vector.shape_cast %div3A_211 : vector<16xf32> to vector<16xf32>
    tpu.vector_store %arg6[%swap3A_212], %swap3A_215 {strides = array<i32>} : memref<512xf32, #tpu.memory_space<vmem>>, vector<16xf32>,
    %get3A_216 = arith.constant 144 : index
    %get3A_217 = tpu.vector_load %arg6[%get3A_216] {strides = array<i32>} : memref<512xf32, #tpu.memory_space<vmem>>, vector<16xf32>,
    %get3A_218 = vector.shape_cast %get3A_217 : vector<16xf32> to vector<16xf32>
    %neg3A_219 = arith.constant 0.000000e+00 : f32
    %neg3A_220 = vector.broadcast %neg3A_219 : f32 to vector<16xf32>
    %neg3A_221 = arith.subf %neg3A_220, %get3A_218 : vector<16xf32>
    %exp3A_222 = math.exp %neg3A_221 : vector<16xf32>
    %add3A_223 = arith.constant 1.000000e+00 : f32
    %add3A_224 = vector.broadcast %add3A_223 : f32 to vector<16xf32>
    %add3A_225 = arith.addf %add3A_224, %exp3A_222 : vector<16xf32>
    %div3A_226 = arith.constant 1.000000e+00 : f32
    %div3A_227 = vector.broadcast %div3A_226 : f32 to vector<16xf32>
    %div3A_228 = arith.divf %div3A_227, %add3A_225 : vector<16xf32>
    %swap3A_229 = arith.constant 144 : index
    %swap3A_230 = tpu.vector_load %arg6[%swap3A_229] {strides = array<i32>} : memref<512xf32, #tpu.memory_space<vmem>>, vector<16xf32>,
    %swap3A_231 = vector.shape_cast %swap3A_230 : vector<16xf32> to vector<16xf32>
    %swap3A_232 = vector.shape_cast %div3A_228 : vector<16xf32> to vector<16xf32>
    tpu.vector_store %arg6[%swap3A_229], %swap3A_232 {strides = array<i32>} : memref<512xf32, #tpu.memory_space<vmem>>, vector<16xf32>,
    %get3A_233 = arith.constant 160 : index
    %get3A_234 = tpu.vector_load %arg6[%get3A_233] {strides = array<i32>} : memref<512xf32, #tpu.memory_space<vmem>>, vector<16xf32>,
    %get3A_235 = vector.shape_cast %get3A_234 : vector<16xf32> to vector<16xf32>
    %neg3A_236 = arith.constant 0.000000e+00 : f32
    %neg3A_237 = vector.broadcast %neg3A_236 : f32 to vector<16xf32>
    %neg3A_238 = arith.subf %neg3A_237, %get3A_235 : vector<16xf32>
    %exp3A_239 = math.exp %neg3A_238 : vector<16xf32>
    %add3A_240 = arith.constant 1.000000e+00 : f32
    %add3A_241 = vector.broadcast %add3A_240 : f32 to vector<16xf32>
    %add3A_242 = arith.addf %add3A_241, %exp3A_239 : vector<16xf32>
    %div3A_243 = arith.constant 1.000000e+00 : f32
    %div3A_244 = vector.broadcast %div3A_243 : f32 to vector<16xf32>
    %div3A_245 = arith.divf %div3A_244, %add3A_242 : vector<16xf32>
    %swap3A_246 = arith.constant 160 : index
    %swap3A_247 = tpu.vector_load %arg6[%swap3A_246] {strides = array<i32>} : memref<512xf32, #tpu.memory_space<vmem>>, vector<16xf32>,
    %swap3A_248 = vector.shape_cast %swap3A_247 : vector<16xf32> to vector<16xf32>
    %swap3A_249 = vector.shape_cast %div3A_245 : vector<16xf32> to vector<16xf32>
    tpu.vector_store %arg6[%swap3A_246], %swap3A_249 {strides = array<i32>} : memref<512xf32, #tpu.memory_space<vmem>>, vector<16xf32>,
    %get3A_250 = arith.constant 176 : index
    %get3A_251 = tpu.vector_load %arg6[%get3A_250] {strides = array<i32>} : memref<512xf32, #tpu.memory_space<vmem>>, vector<16xf32>,
    %get3A_252 = vector.shape_cast %get3A_251 : vector<16xf32> to vector<16xf32>
    %neg3A_253 = arith.constant 0.000000e+00 : f32
    %neg3A_254 = vector.broadcast %neg3A_253 : f32 to vector<16xf32>
    %neg3A_255 = arith.subf %neg3A_254, %get3A_252 : vector<16xf32>
    %exp3A_256 = math.exp %neg3A_255 : vector<16xf32>
    %add3A_257 = arith.constant 1.000000e+00 : f32
    %add3A_258 = vector.broadcast %add3A_257 : f32 to vector<16xf32>
    %add3A_259 = arith.addf %add3A_258, %exp3A_256 : vector<16xf32>
    %div3A_260 = arith.constant 1.000000e+00 : f32
    %div3A_261 = vector.broadcast %div3A_260 : f32 to vector<16xf32>
    %div3A_262 = arith.divf %div3A_261, %add3A_259 : vector<16xf32>
    %swap3A_263 = arith.constant 176 : index
    %swap3A_264 = tpu.vector_load %arg6[%swap3A_263] {strides = array<i32>} : memref<512xf32, #tpu.memory_space<vmem>>, vector<16xf32>,
    %swap3A_265 = vector.shape_cast %swap3A_264 : vector<16xf32> to vector<16xf32>
    %swap3A_266 = vector.shape_cast %div3A_262 : vector<16xf32> to vector<16xf32>
    tpu.vector_store %arg6[%swap3A_263], %swap3A_266 {strides = array<i32>} : memref<512xf32, #tpu.memory_space<vmem>>, vector<16xf32>,
    %get3A_267 = arith.constant 192 : index
    %get3A_268 = tpu.vector_load %arg6[%get3A_267] {strides = array<i32>} : memref<512xf32, #tpu.memory_space<vmem>>, vector<16xf32>,
    %get3A_269 = vector.shape_cast %get3A_268 : vector<16xf32> to vector<16xf32>
    %neg3A_270 = arith.constant 0.000000e+00 : f32
    %neg3A_271 = vector.broadcast %neg3A_270 : f32 to vector<16xf32>
    %neg3A_272 = arith.subf %neg3A_271, %get3A_269 : vector<16xf32>
    %exp3A_273 = math.exp %neg3A_272 : vector<16xf32>
    %add3A_274 = arith.constant 1.000000e+00 : f32
    %add3A_275 = vector.broadcast %add3A_274 : f32 to vector<16xf32>
    %add3A_276 = arith.addf %add3A_275, %exp3A_273 : vector<16xf32>
    %div3A_277 = arith.constant 1.000000e+00 : f32
    %div3A_278 = vector.broadcast %div3A_277 : f32 to vector<16xf32>
    %div3A_279 = arith.divf %div3A_278, %add3A_276 : vector<16xf32>
    %swap3A_280 = arith.constant 192 : index
    %swap3A_281 = tpu.vector_load %arg6[%swap3A_280] {strides = array<i32>} : memref<512xf32, #tpu.memory_space<vmem>>, vector<16xf32>,
    %swap3A_282 = vector.shape_cast %swap3A_281 : vector<16xf32> to vector<16xf32>
    %swap3A_283 = vector.shape_cast %div3A_279 : vector<16xf32> to vector<16xf32>
    tpu.vector_store %arg6[%swap3A_280], %swap3A_283 {strides = array<i32>} : memref<512xf32, #tpu.memory_space<vmem>>, vector<16xf32>,
    %get3A_284 = arith.constant 208 : index
    %get3A_285 = tpu.vector_load %arg6[%get3A_284] {strides = array<i32>} : memref<512xf32, #tpu.memory_space<vmem>>, vector<16xf32>,
    %get3A_286 = vector.shape_cast %get3A_285 : vector<16xf32> to vector<16xf32>
    %neg3A_287 = arith.constant 0.000000e+00 : f32
    %neg3A_288 = vector.broadcast %neg3A_287 : f32 to vector<16xf32>
    %neg3A_289 = arith.subf %neg3A_288, %get3A_286 : vector<16xf32>
    %exp3A_290 = math.exp %neg3A_289 : vector<16xf32>
    %add3A_291 = arith.constant 1.000000e+00 : f32
    %add3A_292 = vector.broadcast %add3A_291 : f32 to vector<16xf32>
    %add3A_293 = arith.addf %add3A_292, %exp3A_290 : vector<16xf32>
    %div3A_294 = arith.constant 1.000000e+00 : f32
    %div3A_295 = vector.broadcast %div3A_294 : f32 to vector<16xf32>
    %div3A_296 = arith.divf %div3A_295, %add3A_293 : vector<16xf32>
    %swap3A_297 = arith.constant 208 : index
    %swap3A_298 = tpu.vector_load %arg6[%swap3A_297] {strides = array<i32>} : memref<512xf32, #tpu.memory_space<vmem>>, vector<16xf32>,
    %swap3A_299 = vector.shape_cast %swap3A_298 : vector<16xf32> to vector<16xf32>
    %swap3A_300 = vector.shape_cast %div3A_296 : vector<16xf32> to vector<16xf32>
    tpu.vector_store %arg6[%swap3A_297], %swap3A_300 {strides = array<i32>} : memref<512xf32, #tpu.memory_space<vmem>>, vector<16xf32>,
    %get3A_301 = arith.constant 224 : index
    %get3A_302 = tpu.vector_load %arg6[%get3A_301] {strides = array<i32>} : memref<512xf32, #tpu.memory_space<vmem>>, vector<16xf32>,
    %get3A_303 = vector.shape_cast %get3A_302 : vector<16xf32> to vector<16xf32>
    %neg3A_304 = arith.constant 0.000000e+00 : f32
    %neg3A_305 = vector.broadcast %neg3A_304 : f32 to vector<16xf32>
    %neg3A_306 = arith.subf %neg3A_305, %get3A_303 : vector<16xf32>
    %exp3A_307 = math.exp %neg3A_306 : vector<16xf32>
    %add3A_308 = arith.constant 1.000000e+00 : f32
    %add3A_309 = vector.broadcast %add3A_308 : f32 to vector<16xf32>
    %add3A_310 = arith.addf %add3A_309, %exp3A_307 : vector<16xf32>
    %div3A_311 = arith.constant 1.000000e+00 : f32
    %div3A_312 = vector.broadcast %div3A_311 : f32 to vector<16xf32>
    %div3A_313 = arith.divf %div3A_312, %add3A_310 : vector<16xf32>
    %swap3A_314 = arith.constant 224 : index
    %swap3A_315 = tpu.vector_load %arg6[%swap3A_314] {strides = array<i32>} : memref<512xf32, #tpu.memory_space<vmem>>, vector<16xf32>,
    %swap3A_316 = vector.shape_cast %swap3A_315 : vector<16xf32> to vector<16xf32>
    %swap3A_317 = vector.shape_cast %div3A_313 : vector<16xf32> to vector<16xf32>
    tpu.vector_store %arg6[%swap3A_314], %swap3A_317 {strides = array<i32>} : memref<512xf32, #tpu.memory_space<vmem>>, vector<16xf32>,
    %get3A_318 = arith.constant 240 : index
    %get3A_319 = tpu.vector_load %arg6[%get3A_318] {strides = array<i32>} : memref<512xf32, #tpu.memory_space<vmem>>, vector<16xf32>,
    %get3A_320 = vector.shape_cast %get3A_319 : vector<16xf32> to vector<16xf32>
    %neg3A_321 = arith.constant 0.000000e+00 : f32
    %neg3A_322 = vector.broadcast %neg3A_321 : f32 to vector<16xf32>
    %neg3A_323 = arith.subf %neg3A_322, %get3A_320 : vector<16xf32>
    %exp3A_324 = math.exp %neg3A_323 : vector<16xf32>
    %add3A_325 = arith.constant 1.000000e+00 : f32
    %add3A_326 = vector.broadcast %add3A_325 : f32 to vector<16xf32>
    %add3A_327 = arith.addf %add3A_326, %exp3A_324 : vector<16xf32>
    %div3A_328 = arith.constant 1.000000e+00 : f32
    %div3A_329 = vector.broadcast %div3A_328 : f32 to vector<16xf32>
    %div3A_330 = arith.divf %div3A_329, %add3A_327 : vector<16xf32>
    %swap3A_331 = arith.constant 240 : index
    %swap3A_332 = tpu.vector_load %arg6[%swap3A_331] {strides = array<i32>} : memref<512xf32, #tpu.memory_space<vmem>>, vector<16xf32>,
    %swap3A_333 = vector.shape_cast %swap3A_332 : vector<16xf32> to vector<16xf32>
    %swap3A_334 = vector.shape_cast %div3A_330 : vector<16xf32> to vector<16xf32>
    tpu.vector_store %arg6[%swap3A_331], %swap3A_334 {strides = array<i32>} : memref<512xf32, #tpu.memory_space<vmem>>, vector<16xf32>,
    %add3A_335 = arith.constant 0 : i32
    %add3A_336 = arith.addi %mul3A_2, %add3A_335 : i32
    %dma_start3A_337 = arith.constant 0 : i32
    %dma_start3A_338 = tpu.memref_slice %arg6[%dma_start3A_337] : memref<512xf32, #tpu.memory_space<vmem>> -> memref<256xf32, #tpu.memory_space<vmem>>
    %dma_start3A_339 = tpu.memref_slice %arg4[%add3A_336] : memref<16384xf32, #tpu.memory_space<hbm>> -> memref<256xf32, #tpu.memory_space<hbm>>
    %dma_start3A_340 = tpu.memref_slice %arg4[%add3A_336] : memref<16384xf32, #tpu.memory_space<hbm>> -> memref<256xf32, #tpu.memory_space<hbm>>
    %dma_start3A_341 = arith.constant 0 : i32
    %dma_start3A_342 = tpu.memref_slice %arg6[%dma_start3A_341] : memref<512xf32, #tpu.memory_space<vmem>> -> memref<256xf32, #tpu.memory_space<vmem>>
    tpu.enqueue_dma source(%dma_start3A_342 : memref<256xf32, #tpu.memory_space<vmem>>) target(%dma_start3A_340 : memref<256xf32, #tpu.memory_space<hbm>>) target_semaphore(%arg9 : memref<!tpu.dma_semaphore, #tpu.memory_space<semaphore_mem>>)
    %dma_wait3A_343 = arith.constant 1 : i32
    %dma_wait3A_344 = arith.constant 256 : i32
    %dma_wait3A_345 = tpu.memref_slice %arg6[%dma_wait3A_344] : memref<512xf32, #tpu.memory_space<vmem>> -> memref<256xf32, #tpu.memory_space<vmem>>
    %dma_wait3A_346 = arith.constant 256 : i32
    %dma_wait3A_347 = tpu.memref_slice %arg5[%dma_wait3A_346] : memref<512xi32, #tpu.memory_space<vmem>> -> memref<256xi32, #tpu.memory_space<vmem>>
    %dma_wait3A_348 = arith.constant 0 : i32
    %dma_wait3A_349 = tpu.memref_slice %arg2[%dma_wait3A_348] : memref<1000000xf32, #tpu.memory_space<hbm>> -> memref<1000000xf32, #tpu.memory_space<hbm>>
    %dma_wait3A_350 = tpu.memref_slice %arg8[%dma_wait3A_343] : memref<2x!tpu.dma_semaphore, #tpu.memory_space<semaphore_mem>> -> memref<1x!tpu.dma_semaphore, #tpu.memory_space<semaphore_mem>>
    %dma_wait3A_351 = tpu.memref_squeeze %dma_wait3A_350 : memref<1x!tpu.dma_semaphore, #tpu.memory_space<semaphore_mem>> -> memref<!tpu.dma_semaphore, #tpu.memory_space<semaphore_mem>>
    tpu.wait_indirect_dma semaphore(%dma_wait3A_351 : memref<!tpu.dma_semaphore, #tpu.memory_space<semaphore_mem>>) src(%dma_wait3A_349 : memref<1000000xf32, #tpu.memory_space<hbm>>) dst(%dma_wait3A_345 : memref<256xf32, #tpu.memory_space<vmem>>)
    %get3A_352 = arith.constant 256 : index
    %get3A_353 = tpu.vector_load %arg6[%get3A_352] {strides = array<i32>} : memref<512xf32, #tpu.memory_space<vmem>>, vector<16xf32>,
    %get3A_354 = vector.shape_cast %get3A_353 : vector<16xf32> to vector<16xf32>
    %neg3A_355 = arith.constant 0.000000e+00 : f32
    %neg3A_356 = vector.broadcast %neg3A_355 : f32 to vector<16xf32>
    %neg3A_357 = arith.subf %neg3A_356, %get3A_354 : vector<16xf32>
    %exp3A_358 = math.exp %neg3A_357 : vector<16xf32>
    %add3A_359 = arith.constant 1.000000e+00 : f32
    %add3A_360 = vector.broadcast %add3A_359 : f32 to vector<16xf32>
    %add3A_361 = arith.addf %add3A_360, %exp3A_358 : vector<16xf32>
    %div3A_362 = arith.constant 1.000000e+00 : f32
    %div3A_363 = vector.broadcast %div3A_362 : f32 to vector<16xf32>
    %div3A_364 = arith.divf %div3A_363, %add3A_361 : vector<16xf32>
    %swap3A_365 = arith.constant 256 : index
    %swap3A_366 = tpu.vector_load %arg6[%swap3A_365] {strides = array<i32>} : memref<512xf32, #tpu.memory_space<vmem>>, vector<16xf32>,
    %swap3A_367 = vector.shape_cast %swap3A_366 : vector<16xf32> to vector<16xf32>
    %swap3A_368 = vector.shape_cast %div3A_364 : vector<16xf32> to vector<16xf32>
    tpu.vector_store %arg6[%swap3A_365], %swap3A_368 {strides = array<i32>} : memref<512xf32, #tpu.memory_space<vmem>>, vector<16xf32>,
    %get3A_369 = arith.constant 272 : index
    %get3A_370 = tpu.vector_load %arg6[%get3A_369] {strides = array<i32>} : memref<512xf32, #tpu.memory_space<vmem>>, vector<16xf32>,
    %get3A_371 = vector.shape_cast %get3A_370 : vector<16xf32> to vector<16xf32>
    %neg3A_372 = arith.constant 0.000000e+00 : f32
    %neg3A_373 = vector.broadcast %neg3A_372 : f32 to vector<16xf32>
    %neg3A_374 = arith.subf %neg3A_373, %get3A_371 : vector<16xf32>
    %exp3A_375 = math.exp %neg3A_374 : vector<16xf32>
    %add3A_376 = arith.constant 1.000000e+00 : f32
    %add3A_377 = vector.broadcast %add3A_376 : f32 to vector<16xf32>
    %add3A_378 = arith.addf %add3A_377, %exp3A_375 : vector<16xf32>
    %div3A_379 = arith.constant 1.000000e+00 : f32
    %div3A_380 = vector.broadcast %div3A_379 : f32 to vector<16xf32>
    %div3A_381 = arith.divf %div3A_380, %add3A_378 : vector<16xf32>
    %swap3A_382 = arith.constant 272 : index
    %swap3A_383 = tpu.vector_load %arg6[%swap3A_382] {strides = array<i32>} : memref<512xf32, #tpu.memory_space<vmem>>, vector<16xf32>,
    %swap3A_384 = vector.shape_cast %swap3A_383 : vector<16xf32> to vector<16xf32>
    %swap3A_385 = vector.shape_cast %div3A_381 : vector<16xf32> to vector<16xf32>
    tpu.vector_store %arg6[%swap3A_382], %swap3A_385 {strides = array<i32>} : memref<512xf32, #tpu.memory_space<vmem>>, vector<16xf32>,
    %get3A_386 = arith.constant 288 : index
    %get3A_387 = tpu.vector_load %arg6[%get3A_386] {strides = array<i32>} : memref<512xf32, #tpu.memory_space<vmem>>, vector<16xf32>,
    %get3A_388 = vector.shape_cast %get3A_387 : vector<16xf32> to vector<16xf32>
    %neg3A_389 = arith.constant 0.000000e+00 : f32
    %neg3A_390 = vector.broadcast %neg3A_389 : f32 to vector<16xf32>
    %neg3A_391 = arith.subf %neg3A_390, %get3A_388 : vector<16xf32>
    %exp3A_392 = math.exp %neg3A_391 : vector<16xf32>
    %add3A_393 = arith.constant 1.000000e+00 : f32
    %add3A_394 = vector.broadcast %add3A_393 : f32 to vector<16xf32>
    %add3A_395 = arith.addf %add3A_394, %exp3A_392 : vector<16xf32>
    %div3A_396 = arith.constant 1.000000e+00 : f32
    %div3A_397 = vector.broadcast %div3A_396 : f32 to vector<16xf32>
    %div3A_398 = arith.divf %div3A_397, %add3A_395 : vector<16xf32>
    %swap3A_399 = arith.constant 288 : index
    %swap3A_400 = tpu.vector_load %arg6[%swap3A_399] {strides = array<i32>} : memref<512xf32, #tpu.memory_space<vmem>>, vector<16xf32>,
    %swap3A_401 = vector.shape_cast %swap3A_400 : vector<16xf32> to vector<16xf32>
    %swap3A_402 = vector.shape_cast %div3A_398 : vector<16xf32> to vector<16xf32>
    tpu.vector_store %arg6[%swap3A_399], %swap3A_402 {strides = array<i32>} : memref<512xf32, #tpu.memory_space<vmem>>, vector<16xf32>,
    %get3A_403 = arith.constant 304 : index
    %get3A_404 = tpu.vector_load %arg6[%get3A_403] {strides = array<i32>} : memref<512xf32, #tpu.memory_space<vmem>>, vector<16xf32>,
    %get3A_405 = vector.shape_cast %get3A_404 : vector<16xf32> to vector<16xf32>
    %neg3A_406 = arith.constant 0.000000e+00 : f32
    %neg3A_407 = vector.broadcast %neg3A_406 : f32 to vector<16xf32>
    %neg3A_408 = arith.subf %neg3A_407, %get3A_405 : vector<16xf32>
    %exp3A_409 = math.exp %neg3A_408 : vector<16xf32>
    %add3A_410 = arith.constant 1.000000e+00 : f32
    %add3A_411 = vector.broadcast %add3A_410 : f32 to vector<16xf32>
    %add3A_412 = arith.addf %add3A_411, %exp3A_409 : vector<16xf32>
    %div3A_413 = arith.constant 1.000000e+00 : f32
    %div3A_414 = vector.broadcast %div3A_413 : f32 to vector<16xf32>
    %div3A_415 = arith.divf %div3A_414, %add3A_412 : vector<16xf32>
    %swap3A_416 = arith.constant 304 : index
    %swap3A_417 = tpu.vector_load %arg6[%swap3A_416] {strides = array<i32>} : memref<512xf32, #tpu.memory_space<vmem>>, vector<16xf32>,
    %swap3A_418 = vector.shape_cast %swap3A_417 : vector<16xf32> to vector<16xf32>
    %swap3A_419 = vector.shape_cast %div3A_415 : vector<16xf32> to vector<16xf32>
    tpu.vector_store %arg6[%swap3A_416], %swap3A_419 {strides = array<i32>} : memref<512xf32, #tpu.memory_space<vmem>>, vector<16xf32>,
    %get3A_420 = arith.constant 320 : index
    %get3A_421 = tpu.vector_load %arg6[%get3A_420] {strides = array<i32>} : memref<512xf32, #tpu.memory_space<vmem>>, vector<16xf32>,
    %get3A_422 = vector.shape_cast %get3A_421 : vector<16xf32> to vector<16xf32>
    %neg3A_423 = arith.constant 0.000000e+00 : f32
    %neg3A_424 = vector.broadcast %neg3A_423 : f32 to vector<16xf32>
    %neg3A_425 = arith.subf %neg3A_424, %get3A_422 : vector<16xf32>
    %exp3A_426 = math.exp %neg3A_425 : vector<16xf32>
    %add3A_427 = arith.constant 1.000000e+00 : f32
    %add3A_428 = vector.broadcast %add3A_427 : f32 to vector<16xf32>
    %add3A_429 = arith.addf %add3A_428, %exp3A_426 : vector<16xf32>
    %div3A_430 = arith.constant 1.000000e+00 : f32
    %div3A_431 = vector.broadcast %div3A_430 : f32 to vector<16xf32>
    %div3A_432 = arith.divf %div3A_431, %add3A_429 : vector<16xf32>
    %swap3A_433 = arith.constant 320 : index
    %swap3A_434 = tpu.vector_load %arg6[%swap3A_433] {strides = array<i32>} : memref<512xf32, #tpu.memory_space<vmem>>, vector<16xf32>,
    %swap3A_435 = vector.shape_cast %swap3A_434 : vector<16xf32> to vector<16xf32>
    %swap3A_436 = vector.shape_cast %div3A_432 : vector<16xf32> to vector<16xf32>
    tpu.vector_store %arg6[%swap3A_433], %swap3A_436 {strides = array<i32>} : memref<512xf32, #tpu.memory_space<vmem>>, vector<16xf32>,
    %get3A_437 = arith.constant 336 : index
    %get3A_438 = tpu.vector_load %arg6[%get3A_437] {strides = array<i32>} : memref<512xf32, #tpu.memory_space<vmem>>, vector<16xf32>,
    %get3A_439 = vector.shape_cast %get3A_438 : vector<16xf32> to vector<16xf32>
    %neg3A_440 = arith.constant 0.000000e+00 : f32
    %neg3A_441 = vector.broadcast %neg3A_440 : f32 to vector<16xf32>
    %neg3A_442 = arith.subf %neg3A_441, %get3A_439 : vector<16xf32>
    %exp3A_443 = math.exp %neg3A_442 : vector<16xf32>
    %add3A_444 = arith.constant 1.000000e+00 : f32
    %add3A_445 = vector.broadcast %add3A_444 : f32 to vector<16xf32>
    %add3A_446 = arith.addf %add3A_445, %exp3A_443 : vector<16xf32>
    %div3A_447 = arith.constant 1.000000e+00 : f32
    %div3A_448 = vector.broadcast %div3A_447 : f32 to vector<16xf32>
    %div3A_449 = arith.divf %div3A_448, %add3A_446 : vector<16xf32>
    %swap3A_450 = arith.constant 336 : index
    %swap3A_451 = tpu.vector_load %arg6[%swap3A_450] {strides = array<i32>} : memref<512xf32, #tpu.memory_space<vmem>>, vector<16xf32>,
    %swap3A_452 = vector.shape_cast %swap3A_451 : vector<16xf32> to vector<16xf32>
    %swap3A_453 = vector.shape_cast %div3A_449 : vector<16xf32> to vector<16xf32>
    tpu.vector_store %arg6[%swap3A_450], %swap3A_453 {strides = array<i32>} : memref<512xf32, #tpu.memory_space<vmem>>, vector<16xf32>,
    %get3A_454 = arith.constant 352 : index
    %get3A_455 = tpu.vector_load %arg6[%get3A_454] {strides = array<i32>} : memref<512xf32, #tpu.memory_space<vmem>>, vector<16xf32>,
    %get3A_456 = vector.shape_cast %get3A_455 : vector<16xf32> to vector<16xf32>
    %neg3A_457 = arith.constant 0.000000e+00 : f32
    %neg3A_458 = vector.broadcast %neg3A_457 : f32 to vector<16xf32>
    %neg3A_459 = arith.subf %neg3A_458, %get3A_456 : vector<16xf32>
    %exp3A_460 = math.exp %neg3A_459 : vector<16xf32>
    %add3A_461 = arith.constant 1.000000e+00 : f32
    %add3A_462 = vector.broadcast %add3A_461 : f32 to vector<16xf32>
    %add3A_463 = arith.addf %add3A_462, %exp3A_460 : vector<16xf32>
    %div3A_464 = arith.constant 1.000000e+00 : f32
    %div3A_465 = vector.broadcast %div3A_464 : f32 to vector<16xf32>
    %div3A_466 = arith.divf %div3A_465, %add3A_463 : vector<16xf32>
    %swap3A_467 = arith.constant 352 : index
    %swap3A_468 = tpu.vector_load %arg6[%swap3A_467] {strides = array<i32>} : memref<512xf32, #tpu.memory_space<vmem>>, vector<16xf32>,
    %swap3A_469 = vector.shape_cast %swap3A_468 : vector<16xf32> to vector<16xf32>
    %swap3A_470 = vector.shape_cast %div3A_466 : vector<16xf32> to vector<16xf32>
    tpu.vector_store %arg6[%swap3A_467], %swap3A_470 {strides = array<i32>} : memref<512xf32, #tpu.memory_space<vmem>>, vector<16xf32>,
    %get3A_471 = arith.constant 368 : index
    %get3A_472 = tpu.vector_load %arg6[%get3A_471] {strides = array<i32>} : memref<512xf32, #tpu.memory_space<vmem>>, vector<16xf32>,
    %get3A_473 = vector.shape_cast %get3A_472 : vector<16xf32> to vector<16xf32>
    %neg3A_474 = arith.constant 0.000000e+00 : f32
    %neg3A_475 = vector.broadcast %neg3A_474 : f32 to vector<16xf32>
    %neg3A_476 = arith.subf %neg3A_475, %get3A_473 : vector<16xf32>
    %exp3A_477 = math.exp %neg3A_476 : vector<16xf32>
    %add3A_478 = arith.constant 1.000000e+00 : f32
    %add3A_479 = vector.broadcast %add3A_478 : f32 to vector<16xf32>
    %add3A_480 = arith.addf %add3A_479, %exp3A_477 : vector<16xf32>
    %div3A_481 = arith.constant 1.000000e+00 : f32
    %div3A_482 = vector.broadcast %div3A_481 : f32 to vector<16xf32>
    %div3A_483 = arith.divf %div3A_482, %add3A_480 : vector<16xf32>
    %swap3A_484 = arith.constant 368 : index
    %swap3A_485 = tpu.vector_load %arg6[%swap3A_484] {strides = array<i32>} : memref<512xf32, #tpu.memory_space<vmem>>, vector<16xf32>,
    %swap3A_486 = vector.shape_cast %swap3A_485 : vector<16xf32> to vector<16xf32>
    %swap3A_487 = vector.shape_cast %div3A_483 : vector<16xf32> to vector<16xf32>
    tpu.vector_store %arg6[%swap3A_484], %swap3A_487 {strides = array<i32>} : memref<512xf32, #tpu.memory_space<vmem>>, vector<16xf32>,
    %get3A_488 = arith.constant 384 : index
    %get3A_489 = tpu.vector_load %arg6[%get3A_488] {strides = array<i32>} : memref<512xf32, #tpu.memory_space<vmem>>, vector<16xf32>,
    %get3A_490 = vector.shape_cast %get3A_489 : vector<16xf32> to vector<16xf32>
    %neg3A_491 = arith.constant 0.000000e+00 : f32
    %neg3A_492 = vector.broadcast %neg3A_491 : f32 to vector<16xf32>
    %neg3A_493 = arith.subf %neg3A_492, %get3A_490 : vector<16xf32>
    %exp3A_494 = math.exp %neg3A_493 : vector<16xf32>
    %add3A_495 = arith.constant 1.000000e+00 : f32
    %add3A_496 = vector.broadcast %add3A_495 : f32 to vector<16xf32>
    %add3A_497 = arith.addf %add3A_496, %exp3A_494 : vector<16xf32>
    %div3A_498 = arith.constant 1.000000e+00 : f32
    %div3A_499 = vector.broadcast %div3A_498 : f32 to vector<16xf32>
    %div3A_500 = arith.divf %div3A_499, %add3A_497 : vector<16xf32>
    %swap3A_501 = arith.constant 384 : index
    %swap3A_502 = tpu.vector_load %arg6[%swap3A_501] {strides = array<i32>} : memref<512xf32, #tpu.memory_space<vmem>>, vector<16xf32>,
    %swap3A_503 = vector.shape_cast %swap3A_502 : vector<16xf32> to vector<16xf32>
    %swap3A_504 = vector.shape_cast %div3A_500 : vector<16xf32> to vector<16xf32>
    tpu.vector_store %arg6[%swap3A_501], %swap3A_504 {strides = array<i32>} : memref<512xf32, #tpu.memory_space<vmem>>, vector<16xf32>,
    %get3A_505 = arith.constant 400 : index
    %get3A_506 = tpu.vector_load %arg6[%get3A_505] {strides = array<i32>} : memref<512xf32, #tpu.memory_space<vmem>>, vector<16xf32>,
    %get3A_507 = vector.shape_cast %get3A_506 : vector<16xf32> to vector<16xf32>
    %neg3A_508 = arith.constant 0.000000e+00 : f32
    %neg3A_509 = vector.broadcast %neg3A_508 : f32 to vector<16xf32>
    %neg3A_510 = arith.subf %neg3A_509, %get3A_507 : vector<16xf32>
    %exp3A_511 = math.exp %neg3A_510 : vector<16xf32>
    %add3A_512 = arith.constant 1.000000e+00 : f32
    %add3A_513 = vector.broadcast %add3A_512 : f32 to vector<16xf32>
    %add3A_514 = arith.addf %add3A_513, %exp3A_511 : vector<16xf32>
    %div3A_515 = arith.constant 1.000000e+00 : f32
    %div3A_516 = vector.broadcast %div3A_515 : f32 to vector<16xf32>
    %div3A_517 = arith.divf %div3A_516, %add3A_514 : vector<16xf32>
    %swap3A_518 = arith.constant 400 : index
    %swap3A_519 = tpu.vector_load %arg6[%swap3A_518] {strides = array<i32>} : memref<512xf32, #tpu.memory_space<vmem>>, vector<16xf32>,
    %swap3A_520 = vector.shape_cast %swap3A_519 : vector<16xf32> to vector<16xf32>
    %swap3A_521 = vector.shape_cast %div3A_517 : vector<16xf32> to vector<16xf32>
    tpu.vector_store %arg6[%swap3A_518], %swap3A_521 {strides = array<i32>} : memref<512xf32, #tpu.memory_space<vmem>>, vector<16xf32>,
    %get3A_522 = arith.constant 416 : index
    %get3A_523 = tpu.vector_load %arg6[%get3A_522] {strides = array<i32>} : memref<512xf32, #tpu.memory_space<vmem>>, vector<16xf32>,
    %get3A_524 = vector.shape_cast %get3A_523 : vector<16xf32> to vector<16xf32>
    %neg3A_525 = arith.constant 0.000000e+00 : f32
    %neg3A_526 = vector.broadcast %neg3A_525 : f32 to vector<16xf32>
    %neg3A_527 = arith.subf %neg3A_526, %get3A_524 : vector<16xf32>
    %exp3A_528 = math.exp %neg3A_527 : vector<16xf32>
    %add3A_529 = arith.constant 1.000000e+00 : f32
    %add3A_530 = vector.broadcast %add3A_529 : f32 to vector<16xf32>
    %add3A_531 = arith.addf %add3A_530, %exp3A_528 : vector<16xf32>
    %div3A_532 = arith.constant 1.000000e+00 : f32
    %div3A_533 = vector.broadcast %div3A_532 : f32 to vector<16xf32>
    %div3A_534 = arith.divf %div3A_533, %add3A_531 : vector<16xf32>
    %swap3A_535 = arith.constant 416 : index
    %swap3A_536 = tpu.vector_load %arg6[%swap3A_535] {strides = array<i32>} : memref<512xf32, #tpu.memory_space<vmem>>, vector<16xf32>,
    %swap3A_537 = vector.shape_cast %swap3A_536 : vector<16xf32> to vector<16xf32>
    %swap3A_538 = vector.shape_cast %div3A_534 : vector<16xf32> to vector<16xf32>
    tpu.vector_store %arg6[%swap3A_535], %swap3A_538 {strides = array<i32>} : memref<512xf32, #tpu.memory_space<vmem>>, vector<16xf32>,
    %get3A_539 = arith.constant 432 : index
    %get3A_540 = tpu.vector_load %arg6[%get3A_539] {strides = array<i32>} : memref<512xf32, #tpu.memory_space<vmem>>, vector<16xf32>,
    %get3A_541 = vector.shape_cast %get3A_540 : vector<16xf32> to vector<16xf32>
    %neg3A_542 = arith.constant 0.000000e+00 : f32
    %neg3A_543 = vector.broadcast %neg3A_542 : f32 to vector<16xf32>
    %neg3A_544 = arith.subf %neg3A_543, %get3A_541 : vector<16xf32>
    %exp3A_545 = math.exp %neg3A_544 : vector<16xf32>
    %add3A_546 = arith.constant 1.000000e+00 : f32
    %add3A_547 = vector.broadcast %add3A_546 : f32 to vector<16xf32>
    %add3A_548 = arith.addf %add3A_547, %exp3A_545 : vector<16xf32>
    %div3A_549 = arith.constant 1.000000e+00 : f32
    %div3A_550 = vector.broadcast %div3A_549 : f32 to vector<16xf32>
    %div3A_551 = arith.divf %div3A_550, %add3A_548 : vector<16xf32>
    %swap3A_552 = arith.constant 432 : index
    %swap3A_553 = tpu.vector_load %arg6[%swap3A_552] {strides = array<i32>} : memref<512xf32, #tpu.memory_space<vmem>>, vector<16xf32>,
    %swap3A_554 = vector.shape_cast %swap3A_553 : vector<16xf32> to vector<16xf32>
    %swap3A_555 = vector.shape_cast %div3A_551 : vector<16xf32> to vector<16xf32>
    tpu.vector_store %arg6[%swap3A_552], %swap3A_555 {strides = array<i32>} : memref<512xf32, #tpu.memory_space<vmem>>, vector<16xf32>,
    %get3A_556 = arith.constant 448 : index
    %get3A_557 = tpu.vector_load %arg6[%get3A_556] {strides = array<i32>} : memref<512xf32, #tpu.memory_space<vmem>>, vector<16xf32>,
    %get3A_558 = vector.shape_cast %get3A_557 : vector<16xf32> to vector<16xf32>
    %neg3A_559 = arith.constant 0.000000e+00 : f32
    %neg3A_560 = vector.broadcast %neg3A_559 : f32 to vector<16xf32>
    %neg3A_561 = arith.subf %neg3A_560, %get3A_558 : vector<16xf32>
    %exp3A_562 = math.exp %neg3A_561 : vector<16xf32>
    %add3A_563 = arith.constant 1.000000e+00 : f32
    %add3A_564 = vector.broadcast %add3A_563 : f32 to vector<16xf32>
    %add3A_565 = arith.addf %add3A_564, %exp3A_562 : vector<16xf32>
    %div3A_566 = arith.constant 1.000000e+00 : f32
    %div3A_567 = vector.broadcast %div3A_566 : f32 to vector<16xf32>
    %div3A_568 = arith.divf %div3A_567, %add3A_565 : vector<16xf32>
    %swap3A_569 = arith.constant 448 : index
    %swap3A_570 = tpu.vector_load %arg6[%swap3A_569] {strides = array<i32>} : memref<512xf32, #tpu.memory_space<vmem>>, vector<16xf32>,
    %swap3A_571 = vector.shape_cast %swap3A_570 : vector<16xf32> to vector<16xf32>
    %swap3A_572 = vector.shape_cast %div3A_568 : vector<16xf32> to vector<16xf32>
    tpu.vector_store %arg6[%swap3A_569], %swap3A_572 {strides = array<i32>} : memref<512xf32, #tpu.memory_space<vmem>>, vector<16xf32>,
    %get3A_573 = arith.constant 464 : index
    %get3A_574 = tpu.vector_load %arg6[%get3A_573] {strides = array<i32>} : memref<512xf32, #tpu.memory_space<vmem>>, vector<16xf32>,
    %get3A_575 = vector.shape_cast %get3A_574 : vector<16xf32> to vector<16xf32>
    %neg3A_576 = arith.constant 0.000000e+00 : f32
    %neg3A_577 = vector.broadcast %neg3A_576 : f32 to vector<16xf32>
    %neg3A_578 = arith.subf %neg3A_577, %get3A_575 : vector<16xf32>
    %exp3A_579 = math.exp %neg3A_578 : vector<16xf32>
    %add3A_580 = arith.constant 1.000000e+00 : f32
    %add3A_581 = vector.broadcast %add3A_580 : f32 to vector<16xf32>
    %add3A_582 = arith.addf %add3A_581, %exp3A_579 : vector<16xf32>
    %div3A_583 = arith.constant 1.000000e+00 : f32
    %div3A_584 = vector.broadcast %div3A_583 : f32 to vector<16xf32>
    %div3A_585 = arith.divf %div3A_584, %add3A_582 : vector<16xf32>
    %swap3A_586 = arith.constant 464 : index
    %swap3A_587 = tpu.vector_load %arg6[%swap3A_586] {strides = array<i32>} : memref<512xf32, #tpu.memory_space<vmem>>, vector<16xf32>,
    %swap3A_588 = vector.shape_cast %swap3A_587 : vector<16xf32> to vector<16xf32>
    %swap3A_589 = vector.shape_cast %div3A_585 : vector<16xf32> to vector<16xf32>
    tpu.vector_store %arg6[%swap3A_586], %swap3A_589 {strides = array<i32>} : memref<512xf32, #tpu.memory_space<vmem>>, vector<16xf32>,
    %get3A_590 = arith.constant 480 : index
    %get3A_591 = tpu.vector_load %arg6[%get3A_590] {strides = array<i32>} : memref<512xf32, #tpu.memory_space<vmem>>, vector<16xf32>,
    %get3A_592 = vector.shape_cast %get3A_591 : vector<16xf32> to vector<16xf32>
    %neg3A_593 = arith.constant 0.000000e+00 : f32
    %neg3A_594 = vector.broadcast %neg3A_593 : f32 to vector<16xf32>
    %neg3A_595 = arith.subf %neg3A_594, %get3A_592 : vector<16xf32>
    %exp3A_596 = math.exp %neg3A_595 : vector<16xf32>
    %add3A_597 = arith.constant 1.000000e+00 : f32
    %add3A_598 = vector.broadcast %add3A_597 : f32 to vector<16xf32>
    %add3A_599 = arith.addf %add3A_598, %exp3A_596 : vector<16xf32>
    %div3A_600 = arith.constant 1.000000e+00 : f32
    %div3A_601 = vector.broadcast %div3A_600 : f32 to vector<16xf32>
    %div3A_602 = arith.divf %div3A_601, %add3A_599 : vector<16xf32>
    %swap3A_603 = arith.constant 480 : index
    %swap3A_604 = tpu.vector_load %arg6[%swap3A_603] {strides = array<i32>} : memref<512xf32, #tpu.memory_space<vmem>>, vector<16xf32>,
    %swap3A_605 = vector.shape_cast %swap3A_604 : vector<16xf32> to vector<16xf32>
    %swap3A_606 = vector.shape_cast %div3A_602 : vector<16xf32> to vector<16xf32>
    tpu.vector_store %arg6[%swap3A_603], %swap3A_606 {strides = array<i32>} : memref<512xf32, #tpu.memory_space<vmem>>, vector<16xf32>,
    %get3A_607 = arith.constant 496 : index
    %get3A_608 = tpu.vector_load %arg6[%get3A_607] {strides = array<i32>} : memref<512xf32, #tpu.memory_space<vmem>>, vector<16xf32>,
    %get3A_609 = vector.shape_cast %get3A_608 : vector<16xf32> to vector<16xf32>
    %neg3A_610 = arith.constant 0.000000e+00 : f32
    %neg3A_611 = vector.broadcast %neg3A_610 : f32 to vector<16xf32>
    %neg3A_612 = arith.subf %neg3A_611, %get3A_609 : vector<16xf32>
    %exp3A_613 = math.exp %neg3A_612 : vector<16xf32>
    %add3A_614 = arith.constant 1.000000e+00 : f32
    %add3A_615 = vector.broadcast %add3A_614 : f32 to vector<16xf32>
    %add3A_616 = arith.addf %add3A_615, %exp3A_613 : vector<16xf32>
    %div3A_617 = arith.constant 1.000000e+00 : f32
    %div3A_618 = vector.broadcast %div3A_617 : f32 to vector<16xf32>
    %div3A_619 = arith.divf %div3A_618, %add3A_616 : vector<16xf32>
    %swap3A_620 = arith.constant 496 : index
    %swap3A_621 = tpu.vector_load %arg6[%swap3A_620] {strides = array<i32>} : memref<512xf32, #tpu.memory_space<vmem>>, vector<16xf32>,
    %swap3A_622 = vector.shape_cast %swap3A_621 : vector<16xf32> to vector<16xf32>
    %swap3A_623 = vector.shape_cast %div3A_619 : vector<16xf32> to vector<16xf32>
    tpu.vector_store %arg6[%swap3A_620], %swap3A_623 {strides = array<i32>} : memref<512xf32, #tpu.memory_space<vmem>>, vector<16xf32>,
    %add3A_624 = arith.constant 256 : i32
    %add3A_625 = arith.addi %mul3A_2, %add3A_624 : i32
    %dma_start3A_626 = arith.constant 256 : i32
    %dma_start3A_627 = tpu.memref_slice %arg6[%dma_start3A_626] : memref<512xf32, #tpu.memory_space<vmem>> -> memref<256xf32, #tpu.memory_space<vmem>>
    %dma_start3A_628 = tpu.memref_slice %arg4[%add3A_625] : memref<16384xf32, #tpu.memory_space<hbm>> -> memref<256xf32, #tpu.memory_space<hbm>>
    %dma_start3A_629 = tpu.memref_slice %arg4[%add3A_625] : memref<16384xf32, #tpu.memory_space<hbm>> -> memref<256xf32, #tpu.memory_space<hbm>>
    %dma_start3A_630 = arith.constant 256 : i32
    %dma_start3A_631 = tpu.memref_slice %arg6[%dma_start3A_630] : memref<512xf32, #tpu.memory_space<vmem>> -> memref<256xf32, #tpu.memory_space<vmem>>
    tpu.enqueue_dma source(%dma_start3A_631 : memref<256xf32, #tpu.memory_space<vmem>>) target(%dma_start3A_629 : memref<256xf32, #tpu.memory_space<hbm>>) target_semaphore(%arg9 : memref<!tpu.dma_semaphore, #tpu.memory_space<semaphore_mem>>)
    %dma_wait3A_632 = arith.constant 0 : i32
    %dma_wait3A_633 = tpu.memref_slice %arg6[%dma_wait3A_632] : memref<512xf32, #tpu.memory_space<vmem>> -> memref<256xf32, #tpu.memory_space<vmem>>
    %dma_wait3A_634 = tpu.memref_slice %arg4[%add3A_336] : memref<16384xf32, #tpu.memory_space<hbm>> -> memref<256xf32, #tpu.memory_space<hbm>>
    %dma_wait3A_635 = tpu.memref_slice %arg4[%add3A_336] : memref<16384xf32, #tpu.memory_space<hbm>> -> memref<256xf32, #tpu.memory_space<hbm>>
    %dma_wait3A_636 = arith.constant 0 : i32
    %dma_wait3A_637 = tpu.memref_slice %arg6[%dma_wait3A_636] : memref<512xf32, #tpu.memory_space<vmem>> -> memref<256xf32, #tpu.memory_space<vmem>>
    tpu.wait_dma2 semaphore(%arg9 : memref<!tpu.dma_semaphore, #tpu.memory_space<semaphore_mem>>) src(%dma_wait3A_637 : memref<256xf32, #tpu.memory_space<vmem>>) dst(%dma_wait3A_635 : memref<256xf32, #tpu.memory_space<hbm>>)
    %dma_wait3A_638 = arith.constant 256 : i32
    %dma_wait3A_639 = tpu.memref_slice %arg6[%dma_wait3A_638] : memref<512xf32, #tpu.memory_space<vmem>> -> memref<256xf32, #tpu.memory_space<vmem>>
    %dma_wait3A_640 = tpu.memref_slice %arg4[%add3A_625] : memref<16384xf32, #tpu.memory_space<hbm>> -> memref<256xf32, #tpu.memory_space<hbm>>
    %dma_wait3A_641 = tpu.memref_slice %arg4[%add3A_625] : memref<16384xf32, #tpu.memory_space<hbm>> -> memref<256xf32, #tpu.memory_space<hbm>>
    %dma_wait3A_642 = arith.constant 256 : i32
    %dma_wait3A_643 = tpu.memref_slice %arg6[%dma_wait3A_642] : memref<512xf32, #tpu.memory_space<vmem>> -> memref<256xf32, #tpu.memory_space<vmem>>
    tpu.wait_dma2 semaphore(%arg9 : memref<!tpu.dma_semaphore, #tpu.memory_space<semaphore_mem>>) src(%dma_wait3A_643 : memref<256xf32, #tpu.memory_space<vmem>>) dst(%dma_wait3A_641 : memref<256xf32, #tpu.memory_space<hbm>>)
    return
  }
}

</mosaic_0001>

<sc_bundles>
// kernel: kernel.3.cloned.1.call-start
scs
__scs_entry_jumppad:
0x0: {  	(pc) =	sbr.rel $0x88, $3  }
0x1: {  	(tag) =	ssettag $0x0;
	lr =	simm.s32 $0x1  }
0x2: {  	[smem:$0x3F9F] =	sst lr;
	_ =	strace $0xD0000000  }
0x3: {  	_ = 	snop  }
0x4: {  	_ = 	snop  }
0x5: {  	_ = 	snop  }
0x6: {  	_ = 	snop  }
0x7: {  	_ = 	snop  }
__scs_overlays_trampoline_lowered:
0x8: {  	[smem:$0x3FAE] =	sst s0  }
0x9: {  	[smem:$0x3FAF] =	sst s1  }
0xa: {  	[smem:$0x3FB0] =	sst s2  }
0xb: {  	[smem:$0x3FB1] =	sst s3  }
0xc: {  	[smem:$0x3FB2] =	sst s4  }
0xd: {  	[smem:$0x3FB3] =	sst s5  }
0xe: {  	[smem:$0x3FB4] =	sst s6  }
0xf: {  	[smem:$0x3FB5] =	sst s7  }
0x10: {  	[smem:$0x3FB6] =	sst s8  }
0x11: {  	[smem:$0x3FB7] =	sst s9;
	s0 =	simm.s32 @!p0 $0x0  }
0x12: {  	s1 =	sld [smem:$0x3F9D];
	s0 =	simm.s32 @p0 $0x1  }
0x13: {  	[smem:$0x3FB8] =	sst s0;
	s0 =	simm.s32 @!p1 $0x0  }
0x14: {  	s2 =	sld [smem:$0x3F9C];
	s0 =	simm.s32 @p1 $0x1  }
0x15: {  	[smem:$0x3FB9] =	sst s0;
	s0 =	simm.s32 @!p2 $0x0  }
0x16: {  	s3 =	sld [smem:$0x3FDB];
	s0 =	simm.s32 @p2 $0x1  }
0x17: {  	s4 =	simm.s32 $0x1BF5;
	[smem:$0x3FBB] =	sst s0  }
0x18: {  	s0 =	sld [smem:$0x3F9E];
	_ =	swait.ge [sflag:s4], $0x0  }
0x19: {  	s7 =	sld [smem:$0x3F9F]  }
0x1a: {  	s8 =	sadd.s32 $0xFFFFE003, lr  }
0x1b: {  	s9 =	sadd.s32 $0xFFFFFEF7, lr;
	s5 =	simm.s32 $0xFFFFFFFF;
	p2 =	slt.u32 s8, $0xFFFFF086  }
0x1c: {  	p1 =	slt.u32 s9, $0xF7A;
	s5 =	simm.s32 @!p2 $0x0  }
0x1d: {  	s5 =	simm.s32 @p1 $0x1;
	p0 =	seq.s32 s7, s2  }
0x1e: {  	s7 =	smul.u32 @!p0 $0xF7A, s2;
	p2 =	seq.s32 @!p0 s5, $0x0  }
0x1f: {  	s9 =	smul.u32 $0xF7A, s1;
	s8 =	simm.s32 @!p0 $0x1BF5;
	p2 =	por !p2, p0  }
0x20: {  	[sflag:s8] =	ssyncset.s32 @!p0 $0xFFFFF086;
	s6 =	sadd.s32 @!p0 s3, s7;
	s7 =	simm.s32 @!p0 $0x108  }
0x21: {  	s3 =	sadd.s32 s3, s9;
	s6 =	sadd.s32 @!p0 $0x88, s6;
	s7 =	simm.s32 @p2 $0x1082  }
0x22: {  	[simem:s7], [sflag:s8] =	dma.local @!p0 [hbm:s6], $0xF7A  }
0x23: {  	s9 =	sor.u32 $0xD0000000, s2;
	s6 =	simm.s32 $0x108;
	_ =	swait.ge @!p0 [sflag:s8], $0x0  }
0x24: {  	s3 =	sadd.s32 $0x88, s3;
	s6 =	simm.s32 @!p1 $0x1082;
	[sflag:s4] =	ssyncset.s32 $0xFFFFF086  }
0x25: {  	[simem:s6], [sflag:s4] =	dma.local [hbm:s3], $0xF7A  }
0x26: {  	[smem:$0x3F9F] =	sst s1;
	(tag) =	ssettag s2;
	_ =	strace s9  }
0x27: {  	s1 =	sld [smem:$0x3FAF]  }
0x28: {  	s2 =	sld [smem:$0x3FB0]  }
0x29: {  	s4 =	sld [smem:$0x3FB2]  }
0x2a: {  	p0 =	seq.s32 s5, $0x0;
	s5 =	sld [smem:$0x3FB3]  }
0x2b: {  	s6 =	sld [smem:$0x3FB4]  }
0x2c: {  	s7 =	sld [smem:$0x3FB5]  }
0x2d: {  	s3 =	simm.s32 $0x108;
	s8 =	sld [smem:$0x3FB6]  }
0x2e: {  	s3 =	simm.s32 @!p0 $0x1082;
	s9 =	sld [smem:$0x3FB7]  }
0x2f: {  	lr =	sadd.s32 s0, s3;
	s0 =	sld [smem:$0x3FAE]  }
0x30: {  	s3 =	sld [smem:$0x3FB1]  }
0x31: {  	[smem:$0x3FBA] =	sst s10  }
0x32: {  	s10 =	sld [smem:$0x3FB8];
	_ =	sdelay $0x3  }
0x33: {  	p0 =	seq.s32 s10, $0x1;
	s10 =	sld [smem:$0x3FBA];
	_ =	sdelay $0x3  }
0x34: {  	[smem:$0x3FBA] =	sst s10  }
0x35: {  	s10 =	sld [smem:$0x3FB9];
	_ =	sdelay $0x3  }
0x36: {  	p1 =	seq.s32 s10, $0x1;
	s10 =	sld [smem:$0x3FBA];
	_ =	sdelay $0x3  }
0x37: {  	[smem:$0x3FBA] =	sst s10  }
0x38: {  	s10 =	sld [smem:$0x3FBB]  }
0x39: {  	_ = 	snop;
	(pc) =	sbr.ind lr, $3  }
0x3a: {  	_ = 	snop  }
0x3b: {  	_ = 	snop  }
0x3c: {  	p2 =	seq.s32 s10, $0x1;
	s10 =	sld [smem:$0x3FBA]  }
0x3d: {  	_ =	shalt  }
0x3e: {  	_ =	shalt  }
0x3f: {  	_ =	shalt  }
0x40: {  	_ =	shalt  }
0x41: {  	_ =	shalt  }
0x42: {  	_ =	shalt  }
0x43: {  	_ =	shalt  }
0x44: {  	_ =	shalt  }
0x45: {  	_ =	shalt  }
0x46: {  	_ =	shalt  }
0x47: {  	_ =	shalt  }
0x48: {  	_ =	shalt  }
0x49: {  	_ =	shalt  }
0x4a: {  	_ =	shalt  }
0x4b: {  	_ =	shalt  }
0x4c: {  	_ =	shalt  }
0x4d: {  	_ =	shalt  }
0x4e: {  	_ =	shalt  }
0x4f: {  	_ =	shalt  }
0x50: {  	_ =	shalt  }
0x51: {  	_ =	shalt  }
0x52: {  	_ =	shalt  }
0x53: {  	_ =	shalt  }
0x54: {  	_ =	shalt  }
0x55: {  	_ =	shalt  }
0x56: {  	_ =	shalt  }
0x57: {  	_ =	shalt  }
0x58: {  	_ =	shalt  }
0x59: {  	_ =	shalt  }
0x5a: {  	_ =	shalt  }
0x5b: {  	_ =	shalt  }
0x5c: {  	_ =	shalt  }
0x5d: {  	_ =	shalt  }
0x5e: {  	_ =	shalt  }
0x5f: {  	_ =	shalt  }
0x60: {  	_ =	shalt  }
0x61: {  	_ =	shalt  }
0x62: {  	_ =	shalt  }
0x63: {  	_ =	shalt  }
0x64: {  	_ =	shalt  }
0x65: {  	_ =	shalt  }
0x66: {  	_ =	shalt  }
0x67: {  	_ =	shalt  }
0x68: {  	_ =	shalt  }
0x69: {  	_ =	shalt  }
0x6a: {  	_ =	shalt  }
0x6b: {  	_ =	shalt  }
0x6c: {  	_ =	shalt  }
0x6d: {  	_ =	shalt  }
0x6e: {  	_ =	shalt  }
0x6f: {  	_ =	shalt  }
0x70: {  	_ =	shalt  }
0x71: {  	_ =	shalt  }
0x72: {  	_ =	shalt  }
0x73: {  	_ =	shalt  }
0x74: {  	_ =	shalt  }
0x75: {  	_ =	shalt  }
0x76: {  	_ =	shalt  }
0x77: {  	_ =	shalt  }
0x78: {  	_ =	shalt  }
0x79: {  	_ =	shalt  }
0x7a: {  	_ =	shalt  }
0x7b: {  	_ =	shalt  }
0x7c: {  	_ =	shalt  }
0x7d: {  	_ =	shalt  }
0x7e: {  	_ =	shalt  }
0x7f: {  	_ =	shalt  }
0x80: {  	_ =	shalt  }
0x81: {  	_ =	shalt  }
0x82: {  	_ =	shalt  }
0x83: {  	_ =	shalt  }
0x84: {  	_ =	shalt  }
0x85: {  	_ =	shalt  }
0x86: {  	_ =	shalt  }
0x87: {  	_ =	shalt  }
.Lfunc_end0:
.L_simem_size_0:
called_computation_lowered:
.L_overlay_start_0:
0x88: {  	s2 =	sld [smem:$0x3FD9]  }
0x89: {  	s3 =	sld [smem:$0x3FFE];
	_ =	sdelay $0x1  }
0x8a: {  	s1 =	srdreg.scid  }
0x8b: {  	s0 =	sand.u32 $0x1, s1  }
0x8c: {  	s17 =	sshll.u32 s0, $0xA;
	s2 =	sadd.s32 s3, s2  }
0x8d: {  	s2 =	sadd.s32 s2, s17  }
0x8e: {  	[smem:$0x3FC6] =	sst s2  }
0x8f: {  	_ = 	snop  }
0x90: {  	s2 =	sld [smem:$0x3FC9]  }
0x91: {  	s18 =	sld [smem:$0x3FD0];
	(tm) =	ssettm $0x1  }
0x92: {  	s4 =	sld [smem:$0x3FFB];
	_ =	sdelay $0x3  }
0x93: {  	_ =	strace s4  }
0x94: {  	s4 =	sld [smem:$0x3FFC];
	_ =	sdelay $0x3  }
0x95: {  	_ =	strace s4  }
0x96: {  	s4 =	sld [smem:$0x3FFD];
	_ =	sdelay $0x3  }
0x97: {  	_ =	strace s4  }
0x98: {  	_ =	strace $0x8FFFFFFF  }
0x99: {  	s19 =	sld [smem:$0x3FDB];
	_ =	sdelay $0x1  }
0x9a: {  	s5 =	simm.s32 $_scs_section_size  }
0x9b: {  	s6 =	simm.s32 $_size__tile_overlayer_lowered;
	s7 =	simm.s32 $_tile_overlayer_lowered  }
0x9c: {  	s22 =	simm.s32 $0x1BFF;
	s21 =	sshll.u32 s7, $0x1;
	s4 =	sadd.s32 s5, s19  }
0x9d: {  	s8 =	simm.s32 $0x0;
	s20 =	sshll.u32 s6, $0x1;
	s6 =	sadd.s32 s21, s4  }
0x9e: {  	[timem:s8], [sflag:s22] =	dma.local [hbm:s6], s20  }
0x9f: {  	_ =	swait.ge [sflag:s22], s20  }
0xa0: {  	s5 =	ssub.s32 $0x0, s20;
	[sflag:s22] =	ssyncset.done $0x0  }
0xa1: {  	[sflag:s22] =	ssyncadd.s32 s5;
	_ =	sdelay $0x1  }
0xa2: {  	s23 =	simm.s32 $0x1B8B  }
0xa3: {  	_ =	swait.ge [sflag:s23], $0x1  }
0xa4: {  	[sflag:s23] =	ssyncset.done $0x0  }
0xa5: {  	s25 =	simm.s32 $0x1B8E;
	s24 =	sld [smem:$0x3FFE];
	[sflag:s23] =	ssyncadd.s32 $0xFFFFFFFF  }
0xa6: {  	s26 =	simm.s32 $execute0_lowered;
	[smem:$0x3FD2] =	sst s25  }
0xa7: {  	s6 =	sshll.u32 s26, $0x1;
	_ =	strace $0x80000046;
	[dreg:$0x1] =	wrdreg $0xFFFFFFFF  }
0xa8: {  	s28 =	simm.s32 $_size_execute0_lowered;
	s4 =	sadd.s32 s4, s6;
	[dreg:$0x0] =	wrdreg $0x0  }
0xa9: {  	s6 =	sshll.u32 s28, $0x1;
	[dreg:$0x2] =	wrdreg s4  }
0xaa: {  	[dreg:$0x3] =	wrdreg s6  }
0xab: {  	[dreg:$0x4] =	wrdreg $0xC0  }
0xac: {  	_ =	task [dreg:s8], $0x5FFFF  }
0xad: {  	[dreg:$0x1] =	wrdreg $0xFFFFFFFF  }
0xae: {  	[dreg:$0x0] =	wrdreg $0x60  }
0xaf: {  	[dreg:$0x2] =	wrdreg s24  }
0xb0: {  	[dreg:$0x3] =	wrdreg s2  }
0xb1: {  	[dreg:$0x4] =	wrdreg s18  }
0xb2: {  	[dreg:$0x5] =	wrdreg $0x9  }
0xb3: {  	_ =	task.clear_ibuf [dreg:s8], $0x6FFFF;
	_ =	strace $0x90000046  }
0xb4: {  	s29 =	simm.s32 $0x9;
	_ =	strace $0x80000048  }
0xb5: {  	_ =	swait.ge [sflag:s29], $0x1  }
0xb6: {  	[sflag:s29] =	ssyncadd.s32 $0xFFFFFFFF  }
0xb7: {  	_ =	strace $0x90000048  }
0xb8: {  	_ =	sfence  }
0xb9: {  	s30 =	sld [smem:$0x0];
	_ =	sdelay $0x2  }
0xba: {  	s31 =	sshll.u32 s1, $0xD;
	s1 =	sshrl.u32 s1, $0x2  }
0xbb: {  	s3 =	sand.u32 $0x4000, s31;
	s1 =	sadd.s32 s1, s30  }
0xbc: {  	s0 =	sor.u32 s3, s0;
	s1 =	sshll.u32 s1, $0x11  }
0xbd: {  	s0 =	sor.u32 s1, s0  }
0xbe: {  	s0 =	sadd.s32 $0x8F2B, s0  }
0xbf: {  	[sflag:s0] =	ssyncadd.remote.s32 $0x1  }
0xc0: {  	_ =	sfence.sel $0xFFFF  }
0xc1: {  	[dreg:$0x0] =	wrdreg $0xFFFFFFFF;
	(pc) =	sbr.abs _section_cstart, $3  }
0xc2: {  	[dreg:$0x1] =	wrdreg $0xFFFFFFFF  }
0xc3: {  	_ =	task.clear_ibuf [dreg:s8], $0x2FFFF;
	_ =	strace $0x9FFFFFFF  }
0xc4: {  	(tm) =	ssettm $0x7FFFFFFF  }
0xc5: {  	_ =	shalt  }
tec
execute0_lowered:
.L_overlay_start_1:
0x0: {  	(tag) =	ssettag $0x1  }
0x1: {  	s4 =	rddreg [dreg:$0x0]  }
0x2: {  	s3 =	rddreg [dreg:$0x1]  }
0x3: {  	s12 =	rddreg [dreg:$0x2];
	s2 =	srdreg.scid  }
0x4: {  	s0 =	rddreg [dreg:$0x3];
	s1 =	stileid.u32;
	s16 =	sand.u32 $0x1, s2  }
0x5: {  	s2 =	simm.s32 $0x0;
	s5 =	sshll.u32 s1, $0x7;
	s6 =	sshll.u32 s16, $0x6  }
0x6: {  	[smem:$0x7FF] =	sst s2;
	s14 =	sor.u32 s6, s5  }
0x7: {  	_ =	strace $0x80000047;
	s5 =	sadd.s32 s3, s14;
	s13 =	sor.u32 $0x20, s14  }
0x8: {  	[tilespmem:s2], [sflag:$0x1] =	stream.linear.gather [hbm4b:s5+s2], $0x100, $0x38;
	[tilespmem:$0x400] =	vst v63  }
0x9: {  	s7 =	simm.s32 $0x100;
	s8 =	simm.s32 $0x1;
	s6 =	sadd.s32 s3, s13  }
0xa: {  	[tilespmem:s7], [sflag:$0x2] =	stream.linear.gather [hbm4b:s6+s2], $0x100, $0x38;
	[tilespmem:$0x400] =	vst v63  }
0xb: {  	_ =	swait.ge [sflag:s8], $0x100  }
0xc: {  	[sflag:s8] =	ssyncset.done $0x0  }
0xd: {  	s9 =	simm.s32 $0x200;
	s10 =	simm.s32 $0x2;
	[sflag:s8] =	ssyncadd.s32 $0xFFFFFF00  }
0xe: {  	[tilespmem:s9], [sflag:$0x3] =	stream.indirect.gather [hbm4b:s4+s7], $0x1, s2, s7, $0xb8;
	[tilespmem:$0x400] =	vst v63  }
0xf: {  	_ =	swait.ge [sflag:s10], $0x100  }
0x10: {  	[sflag:s10] =	ssyncset.done $0x0  }
0x11: {  	s11 =	simm.s32 $0x3;
	s3 =	simm.s32 $0x300;
	[sflag:s10] =	ssyncadd.s32 $0xFFFFFF00  }
0x12: {  	[tilespmem:s3], [sflag:$0x4] =	stream.indirect.gather [hbm4b:s4+s7], $0x1, s7, s7, $0xb8;
	[tilespmem:$0x400] =	vst v63  }
0x13: {  	_ =	swait.ge [sflag:s11], $0x100  }
0x14: {  	[sflag:s11] =	ssyncset.done $0x0  }
0x15: {  	[sflag:s11] =	ssyncadd.s32 $0xFFFFFF00  }
0x16: {  	v0 =	vld [tilespmem:$0x2F0]  }
0x17: {  	v1 =	vld [tilespmem:$0x250]  }
0x18: {  	v2 =	vld [tilespmem:$0x2C0]  }
0x19: {  	v3 =	vld [tilespmem:$0x280];
	_ =	sdelay $0x1  }
0x1a: {  	v4 =	vld [tilespmem:$0x210];
	v0 =	vsub.f32 $0.0e+00, v0  }
0x1b: {  	v5 =	vld [tilespmem:$0x230];
	v1 =	vsub.f32 $0.0e+00, v1  }
0x1c: {  	v6 =	vld [tilespmem:$0x220];
	v2 =	vsub.f32 $0.0e+00, v2;
	v0 =	vmul.f32 $1.442695020e+00, v0  }
0x1d: {  	v7 =	vld [tilespmem:$0x240];
	v3 =	vsub.f32 $0.0e+00, v3;
	v1 =	vmul.f32 $1.442695020e+00, v1  }
0x1e: {  	v2 =	vmul.f32 $1.442695020e+00, v2;
	(erf) = vpow2.f32 v0;
	v0 =	vld [tilespmem:$0x200]  }
0x1f: {  	(erf) = vpow2.f32 v1;
	v1 =	vmul.f32 $1.442695020e+00, v3;
	v3 =	vsub.f32 $0.0e+00, v4;
	v4 =	vld [tilespmem:$0x270]  }
0x20: {  	v5 =	vsub.f32 $0.0e+00, v5;
	(erf) = vpow2.f32 v2;
	v2 =	vld [tilespmem:$0x290]  }
0x21: {  	v8 =	vld [tilespmem:$0x2E0];
	(erf) = vpow2.f32 v1;
	v1 =	vmul.f32 $1.442695020e+00, v3;
	v3 =	vsub.f32 $0.0e+00, v6  }
0x22: {  	v6 =	vsub.f32 $0.0e+00, v7  }
0x23: {  	v5 =	vmul.f32 $1.442695020e+00, v5;
	v7 =	vld [tilespmem:$0x2B0];
	v3 =	vmul.f32 $1.442695020e+00, v3  }
0x24: {  	v0 =	vsub.f32 $0.0e+00, v0;
	(erf) = vpow2.f32 v1;
	v1 =	vmul.f32 $1.442695020e+00, v6  }
0x25: {  	v4 =	vsub.f32 $0.0e+00, v4;
	(erf) = vpow2.f32 v5;
	v2 =	vsub.f32 $0.0e+00, v2  }
0x26: {  	v6 =	vsub.f32 $0.0e+00, v8;
	v0 =	vmul.f32 $1.442695020e+00, v0;
	(erf) = vpow2.f32 v3;
	v3 =	vld [tilespmem:$0x2D0]  }
0x27: {  	v5 =	vld [tilespmem:$0x2A0];
	v4 =	vmul.f32 $1.442695020e+00, v4;
	v8 =	vpop (erf);
	(erf) = vpow2.f32 v1  }
0x28: {  	(erf) = vpow2.f32 v0;
	v0 =	vmul.f32 $1.442695020e+00, v6;
	v6 =	vsub.f32 $0.0e+00, v7  }
0x29: {  	v1 =	vmul.f32 $1.442695020e+00, v2;
	v2 =	vpop (erf)  }
0x2a: {  	v7 =	vpop (erf);
	(erf) = vpow2.f32 v4;
	v4 =	vld [tilespmem:$0x260];
	v6 =	vmul.f32 $1.442695020e+00, v6  }
0x2b: {  	v3 =	vsub.f32 $0.0e+00, v3;
	v7 =	vadd.f32 $1.000000000e+00, v7;
	(erf) = vpow2.f32 v1  }
0x2c: {  	v1 =	vsub.f32 $0.0e+00, v5;
	v5 =	vpop (erf);
	(erf) = vpow2.f32 v0  }
0x2d: {  	v0 =	vadd.f32 $1.000000000e+00, v5;
	v5 =	vpop (erf);
	v3 =	vmul.f32 $1.442695020e+00, v3;
	(erf) = vrcp.f32 v7  }
0x2e: {  	v1 =	vmul.f32 $1.442695020e+00, v1;
	(erf) = vpow2.f32 v6;
	v6 =	vpop (erf)  }
0x2f: {  	(erf) = vrcp.f32 v0;
	v0 =	vsub.f32 $0.0e+00, v4;
	v4 =	vadd.f32 $1.000000000e+00, v6;
	v6 =	vpop (erf)  }
0x30: {  	(erf) = vpow2.f32 v1;
	v1 =	vadd.f32 $1.000000000e+00, v6  }
0x31: {  	v0 =	vmul.f32 $1.442695020e+00, v0  }
0x32: {  	v6 =	vpop (erf);
	(erf) = vpow2.f32 v3  }
0x33: {  	v3 =	vpop (erf);
	(erf) = vrcp.f32 v4;
	v4 =	vadd.f32 $1.000000000e+00, v6  }
0x34: {  	(erf) = vrcp.f32 v1;
	v1 =	vpop (erf)  }
0x35: {  	v5 =	vadd.f32 $1.000000000e+00, v5;
	(erf) = vpow2.f32 v0;
	v0 =	vpop (erf)  }
0x36: {  	v0 =	vadd.f32 $1.000000000e+00, v0  }
0x37: {  	(erf) = vrcp.f32 v4;
	v4 =	vpop (erf)  }
0x38: {  	v1 =	vadd.f32 $1.000000000e+00, v1;
	(erf) = vrcp.f32 v5;
	v4 =	vadd.f32 $1.000000000e+00, v4  }
0x39: {  	v2 =	vadd.f32 $1.000000000e+00, v2;
	v5 =	vpop (erf);
	(erf) = vrcp.f32 v0  }
0x3a: {  	v0 =	vpop (erf);
	(erf) = vrcp.f32 v4  }
0x3b: {  	v6 =	vpop (erf);
	v0 =	vadd.f32 $1.000000000e+00, v0;
	(erf) = vrcp.f32 v1  }
0x3c: {  	v1 =	vpop (erf);
	(erf) = vrcp.f32 v2  }
0x3d: {  	v1 =	vadd.f32 $1.000000000e+00, v1;
	v2 =	vpop (erf);
	(erf) = vrcp.f32 v0;
	v0 =	vadd.f32 $1.000000000e+00, v3  }
0x3e: {  	[tilespmem:$0x2C0] =	vst v5;
	v2 =	vadd.f32 $1.000000000e+00, v2;
	v4 =	vpop (erf)  }
0x3f: {  	[tilespmem:$0x280] =	vst v6;
	v3 =	vpop (erf);
	(erf) = vrcp.f32 v1  }
0x40: {  	v1 =	vadd.f32 $1.000000000e+00, v8;
	[tilespmem:$0x230] =	vst v4;
	v4 =	vpop (erf);
	(erf) = vrcp.f32 v2  }
0x41: {  	[tilespmem:$0x220] =	vst v3;
	v2 =	vadd.f32 $1.000000000e+00, v4;
	(erf) = vrcp.f32 v0;
	v0 =	vpop (erf)  }
0x42: {  	[tilespmem:$0x240] =	vst v0;
	v0 =	vpop (erf);
	(erf) = vrcp.f32 v1  }
0x43: {  	[tilespmem:$0x210] =	vst v0;
	(erf) = vrcp.f32 v2;
	v0 =	vpop (erf)  }
0x44: {  	[tilespmem:$0x290] =	vst v0;
	v0 =	vpop (erf)  }
0x45: {  	[tilespmem:$0x2E0] =	vst v0;
	v0 =	vpop (erf)  }
0x46: {  	[tilespmem:$0x270] =	vst v0;
	v0 =	vpop (erf)  }
0x47: {  	[tilespmem:$0x250] =	vst v0;
	v0 =	vpop (erf)  }
0x48: {  	[tilespmem:$0x2B0] =	vst v0;
	v0 =	vpop (erf)  }
0x49: {  	[tilespmem:$0x2A0] =	vst v0;
	v0 =	vpop (erf)  }
0x4a: {  	[tilespmem:$0x2D0] =	vst v0;
	v0 =	vpop (erf)  }
0x4b: {  	[tilespmem:$0x200] =	vst v0;
	v0 =	vpop (erf)  }
0x4c: {  	[tilespmem:$0x2F0] =	vst v0;
	v0 =	vpop (erf)  }
0x4d: {  	s15 =	simm.s32 $0x4;
	s14 =	sadd.s32 s12, s14;
	[tilespmem:$0x260] =	vst v0  }
0x4e: {  	[hbm4b:s14+s2] =	stream.linear.scatter [tilespmem:s9], [sflag:$0x5], $0x100, $0x38;
	[tilespmem:$0x400] =	vst v63  }
0x4f: {  	_ =	swait.ge [sflag:s15], $0x100  }
0x50: {  	[sflag:s15] =	ssyncset.done $0x0  }
0x51: {  	[sflag:s15] =	ssyncadd.s32 $0xFFFFFF00  }
0x52: {  	v0 =	vld [tilespmem:$0x310]  }
0x53: {  	v1 =	vld [tilespmem:$0x370]  }
0x54: {  	v2 =	vld [tilespmem:$0x320]  }
0x55: {  	v3 =	vld [tilespmem:$0x330]  }
0x56: {  	v4 =	vld [tilespmem:$0x340]  }
0x57: {  	v5 =	vld [tilespmem:$0x350]  }
0x58: {  	s16 =	ssub.s32 $0x2, s16;
	v6 =	vld [tilespmem:$0x360];
	v0 =	vsub.f32 $0.0e+00, v0  }
0x59: {  	s17 =	sshrl.u32 s16, $0x1;
	v7 =	vld [tilespmem:$0x300];
	v1 =	vsub.f32 $0.0e+00, v1;
	v2 =	vsub.f32 $0.0e+00, v2  }
0x5a: {  	s16 =	ssub.s32 s16, s17;
	v8 =	vld [tilespmem:$0x380];
	v3 =	vsub.f32 $0.0e+00, v3;
	v0 =	vmul.f32 $1.442695020e+00, v0  }
0x5b: {  	s16 =	smax.u32 s16, $0x1;
	v9 =	vld [tilespmem:$0x390];
	v10 =	vmul.f32 $1.442695020e+00, v1;
	v1 =	vmul.f32 $1.442695020e+00, v2;
	v2 =	vsub.f32 $0.0e+00, v4  }
0x5c: {  	p0 =	sne.s32 s16, $0x1;
	v11 =	vld [tilespmem:$0x3A0];
	v3 =	vmul.f32 $1.442695020e+00, v3;
	v4 =	vsub.f32 $0.0e+00, v5;
	(erf) = vpow2.f32 v0  }
.Ltmp0:
0x5d: {  	v5 =	vsub.f32 $0.0e+00, v6;
	v2 =	vmul.f32 $1.442695020e+00, v2;
	v0 =	vld [tilespmem:$0x3B0];
	(erf) = vpow2.f32 v1;
	(pc) =	sbr.rel @!p0 .LBB2_2-.Ltmp0, $4  }
0x5e: {  	v12 =	vmul.f32 $1.442695020e+00, v4;
	v4 =	vld [tilespmem:$0x3C0];
	v1 =	vsub.f32 $0.0e+00, v7;
	(erf) = vpow2.f32 v3  }
0x5f: {  	v6 =	vmul.f32 $1.442695020e+00, v5;
	v5 =	vld [tilespmem:$0x3D0];
	v3 =	vsub.f32 $0.0e+00, v8;
	(erf) = vpow2.f32 v2  }
0x60: {  	v7 =	vsub.f32 $0.0e+00, v9;
	v2 =	vmul.f32 $1.442695020e+00, v1;
	v1 =	vld [tilespmem:$0x3E0];
	(erf) = vpow2.f32 v12  }
0x61: {  	s13 =	sadd.s32 s12, s13;
	s12 =	simm.s32 $0x5;
	s16 =	sadd.s32 $0xFFFFFFFF, s16;
	v9 =	vsub.f32 $0.0e+00, v11;
	v8 =	vmul.f32 $1.442695020e+00, v3;
	v3 =	vld [tilespmem:$0x3F0];
	(erf) = vpow2.f32 v10  }
.LBB2_1:
0x62: {  	p0 =	sne.s32 s16, $0x1;
	s16 =	sadd.s32 $0xFFFFFFFF, s16;
	v10 =	vmul.f32 $1.442695020e+00, v7;
	(erf) = vpow2.f32 v6  }
0x63: {  	v6 =	vmul.f32 $1.442695020e+00, v9;
	v4 =	vsub.f32 $0.0e+00, v4;
	(erf) = vpow2.f32 v8  }
0x64: {  	v5 =	vsub.f32 $0.0e+00, v5;
	(erf) = vpow2.f32 v10  }
0x65: {  	v0 =	vsub.f32 $0.0e+00, v0;
	v4 =	vmul.f32 $1.442695020e+00, v4;
	v7 =	vpop (erf);
	(erf) = vpow2.f32 v6  }
0x66: {  	v6 =	vadd.f32 $1.000000000e+00, v7;
	v5 =	vmul.f32 $1.442695020e+00, v5;
	(erf) = vpow2.f32 v2;
	v2 =	vpop (erf)  }
0x67: {  	v0 =	vmul.f32 $1.442695020e+00, v0;
	v1 =	vsub.f32 $0.0e+00, v1;
	v2 =	vadd.f32 $1.000000000e+00, v2;
	v7 =	vpop (erf)  }
0x68: {  	v3 =	vsub.f32 $0.0e+00, v3;
	v7 =	vadd.f32 $1.000000000e+00, v7;
	v8 =	vpop (erf);
	(erf) = vpow2.f32 v4  }
0x69: {  	v9 =	vmul.f32 $1.442695020e+00, v1;
	v4 =	vadd.f32 $1.000000000e+00, v8;
	v8 =	vpop (erf);
	(erf) = vpow2.f32 v5  }
0x6a: {  	v10 =	vmul.f32 $1.442695020e+00, v3;
	v5 =	vadd.f32 $1.000000000e+00, v8;
	v8 =	vpop (erf);
	(erf) = vpow2.f32 v0  }
0x6b: {  	v11 =	vadd.f32 $1.000000000e+00, v8;
	v8 =	vpop (erf);
	(erf) = vpow2.f32 v9  }
0x6c: {  	v1 =	vpop (erf);
	(erf) = vpow2.f32 v10  }
0x6d: {  	v1 =	vadd.f32 $1.000000000e+00, v1;
	(erf) = vrcp.f32 v5;
	v3 =	vpop (erf)  }
0x6e: {  	(erf) = vrcp.f32 v11;
	v0 =	vpop (erf)  }
0x6f: {  	v3 =	vadd.f32 $1.000000000e+00, v3;
	v0 =	vadd.f32 $1.000000000e+00, v0;
	v5 =	vpop (erf);
	(erf) = vrcp.f32 v4  }
0x70: {  	v4 =	vadd.f32 $1.000000000e+00, v5;
	(erf) = vrcp.f32 v1  }
0x71: {  	(erf) = vrcp.f32 v7;
	v1 =	vpop (erf)  }
0x72: {  	v1 =	vadd.f32 $1.000000000e+00, v1;
	(erf) = vrcp.f32 v2;
	v2 =	vpop (erf)  }
0x73: {  	v5 =	vadd.f32 $1.000000000e+00, v8;
	v2 =	vadd.f32 $1.000000000e+00, v2;
	(erf) = vrcp.f32 v3;
	v3 =	vpop (erf)  }
0x74: {  	v3 =	vadd.f32 $1.000000000e+00, v3;
	(erf) = vrcp.f32 v6;
	v6 =	vpop (erf)  }
0x75: {  	v6 =	vadd.f32 $1.000000000e+00, v6;
	(erf) = vrcp.f32 v0;
	v0 =	vpop (erf)  }
0x76: {  	v0 =	vadd.f32 $1.000000000e+00, v0;
	(erf) = vrcp.f32 v4;
	v4 =	vpop (erf)  }
0x77: {  	[tilespmem:$0x350] =	vst v4;
	v4 =	vpop (erf);
	(erf) = vrcp.f32 v3  }
0x78: {  	[tilespmem:$0x370] =	vst v4;
	v3 =	vpop (erf);
	(erf) = vrcp.f32 v6  }
0x79: {  	[tilespmem:$0x340] =	vst v3;
	v3 =	vpop (erf);
	(erf) = vrcp.f32 v0  }
0x7a: {  	[tilespmem:$0x380] =	vst v3;
	v0 =	vpop (erf);
	(erf) = vrcp.f32 v1  }
0x7b: {  	[tilespmem:$0x330] =	vst v0;
	v0 =	vpop (erf);
	(erf) = vrcp.f32 v5  }
0x7c: {  	[tilespmem:$0x320] =	vst v0;
	v0 =	vpop (erf);
	(erf) = vrcp.f32 v2  }
0x7d: {  	[tilespmem:$0x390] =	vst v0;
	v0 =	vpop (erf)  }
0x7e: {  	[tilespmem:$0x310] =	vst v0;
	v0 =	vpop (erf)  }
0x7f: {  	[tilespmem:$0x3A0] =	vst v0;
	v0 =	vpop (erf)  }
0x80: {  	[tilespmem:$0x300] =	vst v0;
	v0 =	vpop (erf)  }
0x81: {  	[tilespmem:$0x3B0] =	vst v0;
	v0 =	vpop (erf)  }
0x82: {  	[tilespmem:$0x3E0] =	vst v0;
	v0 =	vpop (erf)  }
0x83: {  	[tilespmem:$0x3F0] =	vst v0;
	v0 =	vpop (erf)  }
0x84: {  	[tilespmem:$0x3C0] =	vst v0;
	v0 =	vpop (erf)  }
0x85: {  	[tilespmem:$0x360] =	vst v0;
	v0 =	vpop (erf)  }
0x86: {  	[tilespmem:$0x3D0] =	vst v0  }
0x87: {  	[hbm4b:s13+s2] =	stream.linear.scatter [tilespmem:s3], [sflag:$0x5], $0x100, $0x38;
	[tilespmem:$0x400] =	vst v63  }
0x88: {  	_ =	swait.ge [sflag:s12], $0x100  }
0x89: {  	[sflag:s12] =	ssyncset.done $0x0  }
0x8a: {  	[sflag:s12] =	ssyncadd.s32 $0xFFFFFF00  }
0x8b: {  	_ =	swait.ge [sflag:s12], $0x100  }
0x8c: {  	[sflag:s12] =	ssyncset.done $0x0  }
0x8d: {  	[sflag:s12] =	ssyncadd.s32 $0xFFFFFF00  }
0x8e: {  	[tilespmem:s2], [sflag:$0x1] =	stream.linear.gather [hbm4b:s5+s2], $0x100, $0x38;
	[tilespmem:$0x400] =	vst v63  }
0x8f: {  	_ = 	snop  }
0x90: {  	[tilespmem:s7], [sflag:$0x2] =	stream.linear.gather [hbm4b:s6+s2], $0x100, $0x38;
	[tilespmem:$0x400] =	vst v63  }
0x91: {  	_ =	swait.ge [sflag:s8], $0x100  }
0x92: {  	[sflag:s8] =	ssyncset.done $0x0  }
0x93: {  	[sflag:s8] =	ssyncadd.s32 $0xFFFFFF00  }
0x94: {  	[tilespmem:s9], [sflag:$0x3] =	stream.indirect.gather [hbm4b:s4+s7], $0x1, s2, s7, $0xb8;
	[tilespmem:$0x400] =	vst v63  }
0x95: {  	_ =	swait.ge [sflag:s10], $0x100  }
0x96: {  	[sflag:s10] =	ssyncset.done $0x0  }
0x97: {  	[sflag:s10] =	ssyncadd.s32 $0xFFFFFF00  }
0x98: {  	[tilespmem:s3], [sflag:$0x4] =	stream.indirect.gather [hbm4b:s4+s7], $0x1, s7, s7, $0xb8;
	[tilespmem:$0x400] =	vst v63  }
0x99: {  	_ =	swait.ge [sflag:s11], $0x100  }
0x9a: {  	[sflag:s11] =	ssyncset.done $0x0  }
0x9b: {  	[sflag:s11] =	ssyncadd.s32 $0xFFFFFF00  }
0x9c: {  	v0 =	vld [tilespmem:$0x2F0]  }
0x9d: {  	v1 =	vld [tilespmem:$0x250]  }
0x9e: {  	v2 =	vld [tilespmem:$0x2C0]  }
0x9f: {  	v3 =	vld [tilespmem:$0x280]  }
0xa0: {  	v4 =	vld [tilespmem:$0x240]  }
0xa1: {  	v5 =	vld [tilespmem:$0x200];
	v0 =	vsub.f32 $0.0e+00, v0  }
0xa2: {  	v6 =	vld [tilespmem:$0x210];
	v1 =	vsub.f32 $0.0e+00, v1  }
0xa3: {  	v7 =	vld [tilespmem:$0x230];
	v2 =	vsub.f32 $0.0e+00, v2;
	v0 =	vmul.f32 $1.442695020e+00, v0  }
0xa4: {  	v8 =	vld [tilespmem:$0x220];
	v1 =	vmul.f32 $1.442695020e+00, v1;
	v3 =	vsub.f32 $0.0e+00, v3  }
0xa5: {  	v9 =	vld [tilespmem:$0x290];
	v2 =	vmul.f32 $1.442695020e+00, v2;
	(erf) = vpow2.f32 v0  }
0xa6: {  	v0 =	vmul.f32 $1.442695020e+00, v3;
	v3 =	vld [tilespmem:$0x2E0];
	(erf) = vpow2.f32 v1  }
0xa7: {  	v1 =	vsub.f32 $0.0e+00, v6;
	v6 =	vld [tilespmem:$0x270];
	(erf) = vpow2.f32 v2  }
0xa8: {  	v2 =	vsub.f32 $0.0e+00, v7;
	v7 =	vld [tilespmem:$0x260];
	(erf) = vpow2.f32 v0  }
0xa9: {  	v0 =	vmul.f32 $1.442695020e+00, v1;
	v1 =	vsub.f32 $0.0e+00, v8;
	v8 =	vld [tilespmem:$0x2A0]  }
0xaa: {  	v4 =	vsub.f32 $0.0e+00, v4;
	v2 =	vmul.f32 $1.442695020e+00, v2;
	v9 =	vsub.f32 $0.0e+00, v9;
	v10 =	vld [tilespmem:$0x2B0]  }
0xab: {  	v5 =	vsub.f32 $0.0e+00, v5;
	v12 =	vmul.f32 $1.442695020e+00, v1;
	v11 =	vld [tilespmem:$0x2D0];
	(erf) = vpow2.f32 v0  }
0xac: {  	v13 =	vmul.f32 $1.442695020e+00, v4;
	v4 =	vsub.f32 $0.0e+00, v6;
	v6 =	vmul.f32 $1.442695020e+00, v9  }
0xad: {  	v3 =	vsub.f32 $0.0e+00, v3;
	v9 =	vmul.f32 $1.442695020e+00, v5;
	(erf) = vpow2.f32 v2  }
0xae: {  	v14 =	vmul.f32 $1.442695020e+00, v4;
	v4 =	vsub.f32 $0.0e+00, v8;
	(erf) = vpow2.f32 v12;
	v1 =	vpop (erf)  }
0xaf: {  	v3 =	vmul.f32 $1.442695020e+00, v3;
	v1 =	vadd.f32 $1.000000000e+00, v1;
	(erf) = vpow2.f32 v13;
	v0 =	vpop (erf)  }
0xb0: {  	v8 =	vsub.f32 $0.0e+00, v10;
	v0 =	vadd.f32 $1.000000000e+00, v0;
	(erf) = vpow2.f32 v9;
	v5 =	vpop (erf)  }
0xb1: {  	v9 =	vsub.f32 $0.0e+00, v7;
	v5 =	vadd.f32 $1.000000000e+00, v5;
	(erf) = vpow2.f32 v14;
	v2 =	vpop (erf)  }
0xb2: {  	v8 =	vmul.f32 $1.442695020e+00, v8;
	v2 =	vadd.f32 $1.000000000e+00, v2;
	(erf) = vpow2.f32 v6  }
0xb3: {  	v4 =	vmul.f32 $1.442695020e+00, v4;
	v6 =	vsub.f32 $0.0e+00, v11;
	(erf) = vpow2.f32 v3  }
0xb4: {  	v3 =	vmul.f32 $1.442695020e+00, v9;
	v7 =	vpop (erf);
	(erf) = vrcp.f32 v5  }
0xb5: {  	v6 =	vmul.f32 $1.442695020e+00, v6;
	v5 =	vadd.f32 $1.000000000e+00, v7;
	(erf) = vpow2.f32 v8  }
0xb6: {  	v7 =	vpop (erf);
	(erf) = vrcp.f32 v2  }
0xb7: {  	v2 =	vadd.f32 $1.000000000e+00, v7;
	v7 =	vpop (erf);
	(erf) = vpow2.f32 v4  }
0xb8: {  	v8 =	vadd.f32 $1.000000000e+00, v7;
	v7 =	vpop (erf);
	(erf) = vpow2.f32 v6  }
0xb9: {  	v9 =	vadd.f32 $1.000000000e+00, v7;
	v7 =	vpop (erf);
	(erf) = vrcp.f32 v2  }
0xba: {  	v2 =	vadd.f32 $1.000000000e+00, v7;
	(erf) = vrcp.f32 v8;
	v4 =	vpop (erf)  }
0xbb: {  	v4 =	vadd.f32 $1.000000000e+00, v4;
	(erf) = vpow2.f32 v3;
	v3 =	vpop (erf)  }
0xbc: {  	v7 =	vadd.f32 $1.000000000e+00, v3;
	(erf) = vrcp.f32 v9;
	v6 =	vpop (erf)  }
0xbd: {  	v6 =	vadd.f32 $1.000000000e+00, v6;
	(erf) = vrcp.f32 v5;
	v5 =	vpop (erf)  }
0xbe: {  	(erf) = vrcp.f32 v7;
	v3 =	vpop (erf)  }
0xbf: {  	[tilespmem:$0x2C0] =	vst v5;
	v5 =	vpop (erf);
	(erf) = vrcp.f32 v6  }
0xc0: {  	v6 =	vadd.f32 $1.000000000e+00, v3;
	(erf) = vrcp.f32 v4;
	v4 =	vpop (erf)  }
0xc1: {  	v4 =	vadd.f32 $1.000000000e+00, v4;
	(erf) = vrcp.f32 v0;
	v0 =	vpop (erf)  }
0xc2: {  	[tilespmem:$0x280] =	vst v5;
	v0 =	vadd.f32 $1.000000000e+00, v0;
	v5 =	vpop (erf);
	(erf) = vrcp.f32 v6  }
0xc3: {  	[tilespmem:$0x230] =	vst v5;
	v3 =	vpop (erf);
	(erf) = vrcp.f32 v4  }
0xc4: {  	[tilespmem:$0x220] =	vst v3;
	v3 =	vpop (erf);
	(erf) = vrcp.f32 v0  }
0xc5: {  	v3 =	vadd.f32 $1.000000000e+00, v3;
	(erf) = vrcp.f32 v2;
	v2 =	vpop (erf)  }
0xc6: {  	[tilespmem:$0x240] =	vst v2;
	v2 =	vpop (erf);
	(erf) = vrcp.f32 v1  }
0xc7: {  	[tilespmem:$0x210] =	vst v2;
	(erf) = vrcp.f32 v3;
	v0 =	vpop (erf)  }
0xc8: {  	[tilespmem:$0x290] =	vst v0;
	v0 =	vpop (erf)  }
0xc9: {  	[tilespmem:$0x2E0] =	vst v0;
	v0 =	vpop (erf)  }
0xca: {  	[tilespmem:$0x270] =	vst v0;
	v0 =	vpop (erf)  }
0xcb: {  	[tilespmem:$0x250] =	vst v0;
	v0 =	vpop (erf)  }
0xcc: {  	[tilespmem:$0x2B0] =	vst v0;
	v0 =	vpop (erf)  }
0xcd: {  	[tilespmem:$0x2A0] =	vst v0;
	v0 =	vpop (erf)  }
0xce: {  	[tilespmem:$0x2D0] =	vst v0;
	v0 =	vpop (erf)  }
0xcf: {  	[tilespmem:$0x200] =	vst v0;
	v0 =	vpop (erf)  }
0xd0: {  	[tilespmem:$0x2F0] =	vst v0;
	v0 =	vpop (erf)  }
0xd1: {  	[tilespmem:$0x260] =	vst v0  }
0xd2: {  	[hbm4b:s14+s2] =	stream.linear.scatter [tilespmem:s9], [sflag:$0x5], $0x100, $0x38;
	[tilespmem:$0x400] =	vst v63  }
0xd3: {  	_ =	swait.ge [sflag:s15], $0x100  }
0xd4: {  	[sflag:s15] =	ssyncset.done $0x0  }
0xd5: {  	[sflag:s15] =	ssyncadd.s32 $0xFFFFFF00  }
0xd6: {  	v0 =	vld [tilespmem:$0x310]  }
0xd7: {  	v1 =	vld [tilespmem:$0x370]  }
0xd8: {  	v2 =	vld [tilespmem:$0x320]  }
0xd9: {  	v3 =	vld [tilespmem:$0x330]  }
0xda: {  	v4 =	vld [tilespmem:$0x340]  }
0xdb: {  	v5 =	vld [tilespmem:$0x350]  }
0xdc: {  	v0 =	vsub.f32 $0.0e+00, v0;
	v6 =	vld [tilespmem:$0x360];
	v1 =	vsub.f32 $0.0e+00, v1  }
0xdd: {  	v7 =	vld [tilespmem:$0x300];
	v2 =	vsub.f32 $0.0e+00, v2  }
0xde: {  	v0 =	vmul.f32 $1.442695020e+00, v0;
	v3 =	vsub.f32 $0.0e+00, v3;
	v10 =	vmul.f32 $1.442695020e+00, v1;
	v1 =	vld [tilespmem:$0x380]  }
0xdf: {  	v2 =	vmul.f32 $1.442695020e+00, v2;
	v4 =	vsub.f32 $0.0e+00, v4;
	v8 =	vld [tilespmem:$0x390]  }
0xe0: {  	v3 =	vmul.f32 $1.442695020e+00, v3;
	v5 =	vsub.f32 $0.0e+00, v5;
	v9 =	vld [tilespmem:$0x3A0];
	(erf) = vpow2.f32 v0  }
.Ltmp1:
0xe1: {  	v11 =	vmul.f32 $1.442695020e+00, v4;
	v6 =	vsub.f32 $0.0e+00, v6;
	v0 =	vld [tilespmem:$0x3B0];
	(erf) = vpow2.f32 v2;
	(pc) =	sbr.rel @p0 .LBB2_1-.Ltmp1, $4  }
0xe2: {  	v2 =	vsub.f32 $0.0e+00, v7;
	v12 =	vmul.f32 $1.442695020e+00, v5;
	v4 =	vld [tilespmem:$0x3C0];
	(erf) = vpow2.f32 v3  }
0xe3: {  	v6 =	vmul.f32 $1.442695020e+00, v6;
	v3 =	vsub.f32 $0.0e+00, v1;
	v5 =	vld [tilespmem:$0x3D0];
	(erf) = vpow2.f32 v11  }
0xe4: {  	v2 =	vmul.f32 $1.442695020e+00, v2;
	v7 =	vsub.f32 $0.0e+00, v8;
	v1 =	vld [tilespmem:$0x3E0];
	(erf) = vpow2.f32 v12  }
0xe5: {  	v8 =	vmul.f32 $1.442695020e+00, v3;
	v9 =	vsub.f32 $0.0e+00, v9;
	v3 =	vld [tilespmem:$0x3F0];
	(erf) = vpow2.f32 v10  }
.LBB2_2:
0xe6: {  	v7 =	vmul.f32 $1.442695020e+00, v7;
	(erf) = vpow2.f32 v6  }
0xe7: {  	v22 =	vmul.f32 $1.442695020e+00, v9;
	v4 =	vsub.f32 $0.0e+00, v4;
	(erf) = vpow2.f32 v8  }
0xe8: {  	v5 =	vsub.f32 $0.0e+00, v5;
	(erf) = vpow2.f32 v7  }
0xe9: {  	v0 =	vsub.f32 $0.0e+00, v0;
	v4 =	vmul.f32 $1.442695020e+00, v4;
	v23 =	vpop (erf);
	(erf) = vpow2.f32 v22  }
0xea: {  	v1 =	vsub.f32 $0.0e+00, v1;
	v5 =	vmul.f32 $1.442695020e+00, v5;
	(erf) = vpow2.f32 v2;
	v24 =	vpop (erf)  }
0xeb: {  	v0 =	vmul.f32 $1.442695020e+00, v0;
	v3 =	vsub.f32 $0.0e+00, v3;
	v25 =	vpop (erf);
	(erf) = vpow2.f32 v4  }
0xec: {  	v1 =	vmul.f32 $1.442695020e+00, v1;
	v26 =	vpop (erf);
	(erf) = vpow2.f32 v5  }
0xed: {  	v3 =	vmul.f32 $1.442695020e+00, v3;
	v27 =	vpop (erf);
	(erf) = vpow2.f32 v0  }
0xee: {  	v28 =	vadd.f32 $1.000000000e+00, v27;
	v29 =	vpop (erf);
	(erf) = vpow2.f32 v1  }
0xef: {  	v30 =	vadd.f32 $1.000000000e+00, v29;
	v31 =	vpop (erf);
	(erf) = vpow2.f32 v3  }
0xf0: {  	v32 =	vadd.f32 $1.000000000e+00, v26;
	v33 =	vpop (erf);
	(erf) = vrcp.f32 v28  }
0xf1: {  	v34 =	vadd.f32 $1.000000000e+00, v33;
	v35 =	vpop (erf);
	(erf) = vrcp.f32 v30  }
0xf2: {  	v36 =	vadd.f32 $1.000000000e+00, v25;
	v37 =	vpop (erf);
	(erf) = vrcp.f32 v32  }
0xf3: {  	v2 =	vadd.f32 $1.000000000e+00, v24;
	v38 =	vpop (erf);
	(erf) = vrcp.f32 v34  }
0xf4: {  	v39 =	vadd.f32 $1.000000000e+00, v35;
	(erf) = vrcp.f32 v36;
	v40 =	vpop (erf)  }
0xf5: {  	v41 =	vadd.f32 $1.000000000e+00, v23;
	(erf) = vrcp.f32 v2;
	v42 =	vpop (erf)  }
0xf6: {  	v6 =	vadd.f32 $1.000000000e+00, v37;
	(erf) = vrcp.f32 v39;
	v43 =	vpop (erf)  }
0xf7: {  	v3 =	vadd.f32 $1.000000000e+00, v38;
	(erf) = vrcp.f32 v41;
	v44 =	vpop (erf)  }
0xf8: {  	v0 =	vadd.f32 $1.000000000e+00, v43;
	(erf) = vrcp.f32 v6;
	v45 =	vpop (erf)  }
0xf9: {  	v4 =	vadd.f32 $1.000000000e+00, v44;
	(erf) = vrcp.f32 v3;
	v46 =	vpop (erf)  }
0xfa: {  	v6 =	vadd.f32 $1.000000000e+00, v45;
	[tilespmem:$0x350] =	vst v46;
	v47 =	vpop (erf);
	(erf) = vrcp.f32 v0  }
0xfb: {  	v48 =	vadd.f32 $1.000000000e+00, v40;
	[tilespmem:$0x370] =	vst v47;
	v49 =	vpop (erf);
	(erf) = vrcp.f32 v4  }
0xfc: {  	v50 =	vadd.f32 $1.000000000e+00, v31;
	[tilespmem:$0x340] =	vst v49;
	v51 =	vpop (erf);
	(erf) = vrcp.f32 v6  }
0xfd: {  	v2 =	vadd.f32 $1.000000000e+00, v42;
	[tilespmem:$0x380] =	vst v51;
	v52 =	vpop (erf);
	(erf) = vrcp.f32 v48  }
0xfe: {  	[tilespmem:$0x330] =	vst v52;
	v53 =	vpop (erf);
	(erf) = vrcp.f32 v50  }
0xff: {  	[tilespmem:$0x320] =	vst v53;
	v54 =	vpop (erf);
	(erf) = vrcp.f32 v2  }
0x100: {  	[tilespmem:$0x390] =	vst v54;
	v55 =	vpop (erf)  }
0x101: {  	[tilespmem:$0x310] =	vst v55;
	v56 =	vpop (erf)  }
0x102: {  	[tilespmem:$0x3A0] =	vst v56;
	v57 =	vpop (erf)  }
0x103: {  	[tilespmem:$0x300] =	vst v57;
	v58 =	vpop (erf)  }
0x104: {  	[tilespmem:$0x3B0] =	vst v58;
	v59 =	vpop (erf)  }
0x105: {  	[tilespmem:$0x3E0] =	vst v59;
	v60 =	vpop (erf)  }
0x106: {  	[tilespmem:$0x3F0] =	vst v60;
	v61 =	vpop (erf)  }
0x107: {  	[tilespmem:$0x3C0] =	vst v61;
	v62 =	vpop (erf)  }
0x108: {  	[tilespmem:$0x360] =	vst v62;
	v63 =	vpop (erf)  }
0x109: {  	[tilespmem:$0x3D0] =	vst v63  }
0x10a: {  	[hbm4b:s13+s2] =	stream.linear.scatter [tilespmem:s3], [sflag:$0x5], $0x100, $0x38;
	[tilespmem:$0x400] =	vst v63  }
0x10b: {  	_ =	swait.ge [sflag:s12], $0x100  }
0x10c: {  	[sflag:s12] =	ssyncset.done $0x0  }
0x10d: {  	[sflag:s12] =	ssyncadd.s32 $0xFFFFFF00  }
0x10e: {  	_ =	swait.ge [sflag:s12], $0x100  }
0x10f: {  	[sflag:s12] =	ssyncset.done $0x0  }
0x110: {  	[sflag:s12] =	ssyncadd.s32 $0xFFFFFF00  }
0x111: {  	_ =	sfence.sel $0x180000  }
0x112: {  	[bflag:$0x0] =	sbarrier.arrive $0xFFFF  }
0x113: {  	p0 =	sne.s32 s1, $0x0;
	_ =	strace $0x90000047  }
0x114: {  	s0 =	sadd.s32 @!p0 $0x100000, s0;
	[bflag:$0x2] =	sbarrier.arrive $0xFFFF  }
0x115: {  	[sflag:s0] =	ssyncadd.tile.s32 @!p0 $0x1;
	_ =	shalt  }
.Lfunc_end2:
_tile_overlayer_lowered:
.L_overlay_start_2:
0x116: {  	(tag) =	ssettag $0x2  }
0x117: {  	s0 =	rddreg [dreg:$0x0];
	s2 =	stileid.u32  }
0x118: {  	s1 =	rddreg [dreg:$0x1];
	p0 =	sne.s32 s2, $0x0  }
0x119: {  	s3 =	rddreg [dreg:$0x2];
	[bflag:$0x3] =	sbarrier.arrive $0xFFFF;
	s2 =	simm.s32 @!p0 $0x1C06  }
0x11a: {  	[timem:s3], [sflag:s2] =	dma.local @!p0 [hbm:s0], s1  }
0x11b: {  	s0 =	simm.s32 @!p0 $0x6  }
0x11c: {  	_ =	swait.ge @!p0 [sflag:s0], s1  }
0x11d: {  	s1 =	ssub.s32 @!p0 $0x0, s1;
	[sflag:s0] =	ssyncset.done @!p0 $0x0  }
0x11e: {  	[sflag:s0] =	ssyncadd.s32 @!p0 s1  }
0x11f: {  	[bflag:$0x3] =	sbarrier.arrive $0xFFFF  }
0x120: {  	_ =	shalt  }

</sc_bundles>
